<compile_context>
chip_gen: v7x
topology: tpu7x:2x2x1
jax: 0.10.2.dev20260603
libtpu: 0.0.44.dev20260713+nightly
codegen_flags: <defaults>
</compile_context>

<pallas_src>
import functools

import jax
import jax.numpy as jnp
from jax import lax
from jax.experimental import pallas as pl
from jax.experimental.pallas import tpu as pltpu
from jax.experimental.pallas import tpu_sc as plsc

EMBED = 32
LANES = 16
CHUNK = 64
PROJ_BLK = 65536


def _proj_body(w_ref, tab_ref, out_ref):
    out_ref[...] = jnp.dot(
        w_ref[...], tab_ref[...], preferred_element_type=jnp.float32)[0]


def _tc_project(w_row, tab_t):
    n = tab_t.shape[1]
    grid = pl.cdiv(n, PROJ_BLK)
    return pl.pallas_call(
        _proj_body,
        grid=(grid,),
        in_specs=[
            pl.BlockSpec((1, EMBED), lambda i: (0, 0)),
            pl.BlockSpec((EMBED, PROJ_BLK), lambda i: (0, i)),
        ],
        out_specs=pl.BlockSpec((PROJ_BLK,), lambda i: (i,)),
        out_shape=jax.ShapeDtypeStruct((n,), jnp.float32),
    )(w_row, tab_t)


def _to_hbm(x):
    return pltpu.with_memory_space_constraint(x, pltpu.MemorySpace.HBM)


def _sc_body(nc, bpw, idx_h, proj_h, bv_h, out_h,
             idx_v, g_v, bv_v, out_v, sem_i, sem_b, sem):
    wid = lax.axis_index("s") * nc + lax.axis_index("c")
    base = wid * bpw
    nch = bpw // CHUNK
    elementwise = bv_h.shape[0] != LANES

    idx_cp = pltpu.async_copy(idx_h.at[pl.ds(base, bpw)], idx_v, sem_i)
    if elementwise:
        bv_cp = pltpu.async_copy(bv_h.at[pl.ds(base, bpw)], bv_v, sem_b)
    else:
        bv_cp = pltpu.async_copy(bv_h, bv_v, sem_b)

    idx_cp.wait()
    copies = []
    for j in range(nch):
        copies.append(pltpu.async_copy(
            proj_h.at[idx_v.at[pl.ds(j * CHUNK, CHUNK)]],
            g_v.at[pl.ds(j * CHUNK, CHUNK)], sem))
    bv_cp.wait()
    for c in copies:
        c.wait()

    for i in range(0, bpw, LANES):
        bval = bv_v[pl.ds(i, LANES)] if elementwise else bv_v[...]
        out_v[pl.ds(i, LANES)] = g_v[pl.ds(i, LANES)] + bval

    pltpu.sync_copy(out_v, out_h.at[pl.ds(base, bpw)])


def _sc_gather_add(idx, proj, base_vals):
    batch = idx.shape[0]
    info = plsc.get_sparse_core_info()
    nc, ns = info.num_cores, info.num_subcores
    bpw = batch // (nc * ns)

    bv_shape = (LANES,) if base_vals.shape[0] == LANES else (bpw,)
    mesh = plsc.VectorSubcoreMesh(core_axis_name="c", subcore_axis_name="s")
    fn = pl.kernel(
        functools.partial(_sc_body, nc, bpw),
        out_type=jax.ShapeDtypeStruct((batch,), jnp.float32),
        mesh=mesh,
        compiler_params=pltpu.CompilerParams(
            needs_layout_passes=False, use_tc_tiling_on_sc=False),
        scratch_types=[
            pltpu.VMEM((bpw,), jnp.int32),
            pltpu.VMEM((bpw,), jnp.float32),
            pltpu.VMEM(bv_shape, jnp.float32),
            pltpu.VMEM((bpw,), jnp.float32),
            pltpu.SemaphoreType.DMA,
            pltpu.SemaphoreType.DMA,
            pltpu.SemaphoreType.DMA,
        ],
    )
    return fn(idx, proj, base_vals)


@jax.jit
def _run(user, course, user_table, course_table, W, b):
    w_u = W[:, :EMBED]
    w_c = W[:, EMBED:]
    b_vec = jnp.broadcast_to(b, (LANES,)).astype(jnp.float32)
    proj_c = _to_hbm(_tc_project(w_c, course_table.T))
    partial = _sc_gather_add(course, proj_c, b_vec)
    proj_u = _to_hbm(_tc_project(w_u, user_table.T))
    return _sc_gather_add(user, proj_u, partial)


def kernel(user, course, user_table, course_table, W, b):
    out = _run(user, course, user_table, course_table, W, b)
    return out.reshape(-1, 1)

# --- scband reference (transcript-rebuilt; emitter-appended) ---
"""Pipeline reference for scband-factorization-machine-3667902070996 (READ-ONLY COPY).

The authoritative reference and input builder live on the scoring server;
editing this copy changes nothing except your own understanding.
"""

import jax, jax.numpy as jnp
import numpy as np

NUM_USERS = 1000000
NUM_COURSES = 100000
EMBED_DIM = 32
BATCH = 16384

def setup_inputs(seed: int = 0) -> dict:
    key = jax.random.key(seed)
    k1, k2, k3, k4, k5, k6 = jax.random.split(key, 6)
    user = jax.random.randint(k1, (BATCH,), 0, NUM_USERS, dtype=jnp.int64 if jax.config.jax_enable_x64 else jnp.int32)
    course = jax.random.randint(k2, (BATCH,), 0, NUM_COURSES, dtype=jnp.int64 if jax.config.jax_enable_x64 else jnp.int32)
    user_table = jax.random.normal(k3, (NUM_USERS, EMBED_DIM), dtype=jnp.float32)
    course_table = jax.random.normal(k4, (NUM_COURSES, EMBED_DIM), dtype=jnp.float32)
    # nn.Linear(embedding_dim*2, 1): weight [1, 2*dim], bias [1]
    lim = 1.0 / np.sqrt(2 * EMBED_DIM)
    W = jax.random.uniform(k5, (1, 2 * EMBED_DIM), minval=-lim, maxval=lim, dtype=jnp.float32)
    b = jax.random.uniform(k6, (1,), minval=-lim, maxval=lim, dtype=jnp.float32)
    return {"user": user, "course": course, "user_table": user_table, "course_table": course_table, "W": W, "b": b}

def reference(user, course, user_table, course_table, W, b):
    # QuantStub/DeQuantStub are identity in fp mode; .float().long() on indices is identity
    user_emb = jnp.take(user_table, user, axis=0)        # [B, D]
    course_emb = jnp.take(course_table, course, axis=0)  # [B, D]
    interaction = jnp.concatenate([user_emb, course_emb], axis=1)  # [B, 2D]
    output = interaction @ W.T + b                        # [B, 1]
    return output

if __name__ == "__main__":
    import jax
    _d = setup_inputs()
    print(jax.jit(kernel)(*tuple(_d.values())))

</pallas_src>

<mosaic_0001>
#map = affine_map<(d0, d1) -> (0)>
module attributes {stable_mosaic.version = 14 : i64} {
  func.func @_sc_body(%arg0: i32, %arg1: i32, %arg2: memref<16384xi32, #tpu.memory_space<hbm>>, %arg3: memref<100000xf32, #tpu.memory_space<hbm>>, %arg4: memref<16xf32, #tpu.memory_space<hbm>>, %arg5: memref<16384xf32, #tpu.memory_space<hbm>>, %arg6: memref<512xi32, #tpu.memory_space<vmem>>, %arg7: memref<512xf32, #tpu.memory_space<vmem>>, %arg8: memref<16xf32, #tpu.memory_space<vmem>>, %arg9: memref<512xf32, #tpu.memory_space<vmem>>, %arg10: memref<!tpu.dma_semaphore, #tpu.memory_space<semaphore_mem>>, %arg11: memref<!tpu.dma_semaphore, #tpu.memory_space<semaphore_mem>>, %arg12: memref<!tpu.dma_semaphore, #tpu.memory_space<semaphore_mem>>) attributes {dimension_semantics = [#tpu.dimension_semantics<core_parallel>, #tpu.dimension_semantics<subcore_parallel>], iteration_bounds = array<i64: 2, 16>, scalar_prefetch = 0 : i64, scratch_operands = 7 : i64, tpu.core_type = #tpu.core_type<sc_vector_subcore>, window_params = [{transform_indices = #map}, {transform_indices = #map}, {transform_indices = #map}, {transform_indices = #map}]} {
    %mul3A = arith.constant 2 : i32
    %mul3A_0 = arith.muli %arg1, %mul3A : i32
    %add3A = arith.addi %mul3A_0, %arg0 : i32
    %mul3A_1 = arith.constant 512 : i32
    %mul3A_2 = arith.muli %add3A, %mul3A_1 : i32
    %dma_start3A = tpu.memref_slice %arg2[%mul3A_2] : memref<16384xi32, #tpu.memory_space<hbm>> -> memref<512xi32, #tpu.memory_space<hbm>>
    %dma_start3A_3 = tpu.memref_slice %arg2[%mul3A_2] : memref<16384xi32, #tpu.memory_space<hbm>> -> memref<512xi32, #tpu.memory_space<hbm>>
    tpu.enqueue_dma source(%dma_start3A_3 : memref<512xi32, #tpu.memory_space<hbm>>) target(%arg6 : memref<512xi32, #tpu.memory_space<vmem>>) target_semaphore(%arg10 : memref<!tpu.dma_semaphore, #tpu.memory_space<semaphore_mem>>)
    tpu.enqueue_dma source(%arg4 : memref<16xf32, #tpu.memory_space<hbm>>) target(%arg8 : memref<16xf32, #tpu.memory_space<vmem>>) target_semaphore(%arg11 : memref<!tpu.dma_semaphore, #tpu.memory_space<semaphore_mem>>)
    %dma_wait3A = tpu.memref_slice %arg2[%mul3A_2] : memref<16384xi32, #tpu.memory_space<hbm>> -> memref<512xi32, #tpu.memory_space<hbm>>
    %dma_wait3A_4 = tpu.memref_slice %arg2[%mul3A_2] : memref<16384xi32, #tpu.memory_space<hbm>> -> memref<512xi32, #tpu.memory_space<hbm>>
    tpu.wait_dma2 semaphore(%arg10 : memref<!tpu.dma_semaphore, #tpu.memory_space<semaphore_mem>>) src(%dma_wait3A_4 : memref<512xi32, #tpu.memory_space<hbm>>) dst(%arg6 : memref<512xi32, #tpu.memory_space<vmem>>)
    %dma_start3A_5 = arith.constant 0 : i32
    %dma_start3A_6 = tpu.memref_slice %arg7[%dma_start3A_5] : memref<512xf32, #tpu.memory_space<vmem>> -> memref<64xf32, #tpu.memory_space<vmem>>
    %dma_start3A_7 = arith.constant 0 : i32
    %dma_start3A_8 = tpu.memref_slice %arg6[%dma_start3A_7] : memref<512xi32, #tpu.memory_space<vmem>> -> memref<64xi32, #tpu.memory_space<vmem>>
    %dma_start3A_9 = arith.constant 0 : i32
    %dma_start3A_10 = tpu.memref_slice %arg3[%dma_start3A_9] : memref<100000xf32, #tpu.memory_space<hbm>> -> memref<100000xf32, #tpu.memory_space<hbm>>
    tpu.enqueue_indirect_dma source(%dma_start3A_10 : memref<100000xf32, #tpu.memory_space<hbm>>) target(%dma_start3A_6 : memref<64xf32, #tpu.memory_space<vmem>>) offsets(%dma_start3A_8 : memref<64xi32, #tpu.memory_space<vmem>>) semaphore(%arg12 : memref<!tpu.dma_semaphore, #tpu.memory_space<semaphore_mem>>)
    %dma_start3A_11 = arith.constant 64 : i32
    %dma_start3A_12 = tpu.memref_slice %arg7[%dma_start3A_11] : memref<512xf32, #tpu.memory_space<vmem>> -> memref<64xf32, #tpu.memory_space<vmem>>
    %dma_start3A_13 = arith.constant 64 : i32
    %dma_start3A_14 = tpu.memref_slice %arg6[%dma_start3A_13] : memref<512xi32, #tpu.memory_space<vmem>> -> memref<64xi32, #tpu.memory_space<vmem>>
    %dma_start3A_15 = arith.constant 0 : i32
    %dma_start3A_16 = tpu.memref_slice %arg3[%dma_start3A_15] : memref<100000xf32, #tpu.memory_space<hbm>> -> memref<100000xf32, #tpu.memory_space<hbm>>
    tpu.enqueue_indirect_dma source(%dma_start3A_16 : memref<100000xf32, #tpu.memory_space<hbm>>) target(%dma_start3A_12 : memref<64xf32, #tpu.memory_space<vmem>>) offsets(%dma_start3A_14 : memref<64xi32, #tpu.memory_space<vmem>>) semaphore(%arg12 : memref<!tpu.dma_semaphore, #tpu.memory_space<semaphore_mem>>)
    %dma_start3A_17 = arith.constant 128 : i32
    %dma_start3A_18 = tpu.memref_slice %arg7[%dma_start3A_17] : memref<512xf32, #tpu.memory_space<vmem>> -> memref<64xf32, #tpu.memory_space<vmem>>
    %dma_start3A_19 = arith.constant 128 : i32
    %dma_start3A_20 = tpu.memref_slice %arg6[%dma_start3A_19] : memref<512xi32, #tpu.memory_space<vmem>> -> memref<64xi32, #tpu.memory_space<vmem>>
    %dma_start3A_21 = arith.constant 0 : i32
    %dma_start3A_22 = tpu.memref_slice %arg3[%dma_start3A_21] : memref<100000xf32, #tpu.memory_space<hbm>> -> memref<100000xf32, #tpu.memory_space<hbm>>
    tpu.enqueue_indirect_dma source(%dma_start3A_22 : memref<100000xf32, #tpu.memory_space<hbm>>) target(%dma_start3A_18 : memref<64xf32, #tpu.memory_space<vmem>>) offsets(%dma_start3A_20 : memref<64xi32, #tpu.memory_space<vmem>>) semaphore(%arg12 : memref<!tpu.dma_semaphore, #tpu.memory_space<semaphore_mem>>)
    %dma_start3A_23 = arith.constant 192 : i32
    %dma_start3A_24 = tpu.memref_slice %arg7[%dma_start3A_23] : memref<512xf32, #tpu.memory_space<vmem>> -> memref<64xf32, #tpu.memory_space<vmem>>
    %dma_start3A_25 = arith.constant 192 : i32
    %dma_start3A_26 = tpu.memref_slice %arg6[%dma_start3A_25] : memref<512xi32, #tpu.memory_space<vmem>> -> memref<64xi32, #tpu.memory_space<vmem>>
    %dma_start3A_27 = arith.constant 0 : i32
    %dma_start3A_28 = tpu.memref_slice %arg3[%dma_start3A_27] : memref<100000xf32, #tpu.memory_space<hbm>> -> memref<100000xf32, #tpu.memory_space<hbm>>
    tpu.enqueue_indirect_dma source(%dma_start3A_28 : memref<100000xf32, #tpu.memory_space<hbm>>) target(%dma_start3A_24 : memref<64xf32, #tpu.memory_space<vmem>>) offsets(%dma_start3A_26 : memref<64xi32, #tpu.memory_space<vmem>>) semaphore(%arg12 : memref<!tpu.dma_semaphore, #tpu.memory_space<semaphore_mem>>)
    %dma_start3A_29 = arith.constant 256 : i32
    %dma_start3A_30 = tpu.memref_slice %arg7[%dma_start3A_29] : memref<512xf32, #tpu.memory_space<vmem>> -> memref<64xf32, #tpu.memory_space<vmem>>
    %dma_start3A_31 = arith.constant 256 : i32
    %dma_start3A_32 = tpu.memref_slice %arg6[%dma_start3A_31] : memref<512xi32, #tpu.memory_space<vmem>> -> memref<64xi32, #tpu.memory_space<vmem>>
    %dma_start3A_33 = arith.constant 0 : i32
    %dma_start3A_34 = tpu.memref_slice %arg3[%dma_start3A_33] : memref<100000xf32, #tpu.memory_space<hbm>> -> memref<100000xf32, #tpu.memory_space<hbm>>
    tpu.enqueue_indirect_dma source(%dma_start3A_34 : memref<100000xf32, #tpu.memory_space<hbm>>) target(%dma_start3A_30 : memref<64xf32, #tpu.memory_space<vmem>>) offsets(%dma_start3A_32 : memref<64xi32, #tpu.memory_space<vmem>>) semaphore(%arg12 : memref<!tpu.dma_semaphore, #tpu.memory_space<semaphore_mem>>)
    %dma_start3A_35 = arith.constant 320 : i32
    %dma_start3A_36 = tpu.memref_slice %arg7[%dma_start3A_35] : memref<512xf32, #tpu.memory_space<vmem>> -> memref<64xf32, #tpu.memory_space<vmem>>
    %dma_start3A_37 = arith.constant 320 : i32
    %dma_start3A_38 = tpu.memref_slice %arg6[%dma_start3A_37] : memref<512xi32, #tpu.memory_space<vmem>> -> memref<64xi32, #tpu.memory_space<vmem>>
    %dma_start3A_39 = arith.constant 0 : i32
    %dma_start3A_40 = tpu.memref_slice %arg3[%dma_start3A_39] : memref<100000xf32, #tpu.memory_space<hbm>> -> memref<100000xf32, #tpu.memory_space<hbm>>
    tpu.enqueue_indirect_dma source(%dma_start3A_40 : memref<100000xf32, #tpu.memory_space<hbm>>) target(%dma_start3A_36 : memref<64xf32, #tpu.memory_space<vmem>>) offsets(%dma_start3A_38 : memref<64xi32, #tpu.memory_space<vmem>>) semaphore(%arg12 : memref<!tpu.dma_semaphore, #tpu.memory_space<semaphore_mem>>)
    %dma_start3A_41 = arith.constant 384 : i32
    %dma_start3A_42 = tpu.memref_slice %arg7[%dma_start3A_41] : memref<512xf32, #tpu.memory_space<vmem>> -> memref<64xf32, #tpu.memory_space<vmem>>
    %dma_start3A_43 = arith.constant 384 : i32
    %dma_start3A_44 = tpu.memref_slice %arg6[%dma_start3A_43] : memref<512xi32, #tpu.memory_space<vmem>> -> memref<64xi32, #tpu.memory_space<vmem>>
    %dma_start3A_45 = arith.constant 0 : i32
    %dma_start3A_46 = tpu.memref_slice %arg3[%dma_start3A_45] : memref<100000xf32, #tpu.memory_space<hbm>> -> memref<100000xf32, #tpu.memory_space<hbm>>
    tpu.enqueue_indirect_dma source(%dma_start3A_46 : memref<100000xf32, #tpu.memory_space<hbm>>) target(%dma_start3A_42 : memref<64xf32, #tpu.memory_space<vmem>>) offsets(%dma_start3A_44 : memref<64xi32, #tpu.memory_space<vmem>>) semaphore(%arg12 : memref<!tpu.dma_semaphore, #tpu.memory_space<semaphore_mem>>)
    %dma_start3A_47 = arith.constant 448 : i32
    %dma_start3A_48 = tpu.memref_slice %arg7[%dma_start3A_47] : memref<512xf32, #tpu.memory_space<vmem>> -> memref<64xf32, #tpu.memory_space<vmem>>
    %dma_start3A_49 = arith.constant 448 : i32
    %dma_start3A_50 = tpu.memref_slice %arg6[%dma_start3A_49] : memref<512xi32, #tpu.memory_space<vmem>> -> memref<64xi32, #tpu.memory_space<vmem>>
    %dma_start3A_51 = arith.constant 0 : i32
    %dma_start3A_52 = tpu.memref_slice %arg3[%dma_start3A_51] : memref<100000xf32, #tpu.memory_space<hbm>> -> memref<100000xf32, #tpu.memory_space<hbm>>
    tpu.enqueue_indirect_dma source(%dma_start3A_52 : memref<100000xf32, #tpu.memory_space<hbm>>) target(%dma_start3A_48 : memref<64xf32, #tpu.memory_space<vmem>>) offsets(%dma_start3A_50 : memref<64xi32, #tpu.memory_space<vmem>>) semaphore(%arg12 : memref<!tpu.dma_semaphore, #tpu.memory_space<semaphore_mem>>)
    tpu.wait_dma2 semaphore(%arg11 : memref<!tpu.dma_semaphore, #tpu.memory_space<semaphore_mem>>) src(%arg4 : memref<16xf32, #tpu.memory_space<hbm>>) dst(%arg8 : memref<16xf32, #tpu.memory_space<vmem>>)
    %dma_wait3A_53 = arith.constant 0 : i32
    %dma_wait3A_54 = tpu.memref_slice %arg7[%dma_wait3A_53] : memref<512xf32, #tpu.memory_space<vmem>> -> memref<64xf32, #tpu.memory_space<vmem>>
    %dma_wait3A_55 = arith.constant 0 : i32
    %dma_wait3A_56 = tpu.memref_slice %arg6[%dma_wait3A_55] : memref<512xi32, #tpu.memory_space<vmem>> -> memref<64xi32, #tpu.memory_space<vmem>>
    %dma_wait3A_57 = arith.constant 0 : i32
    %dma_wait3A_58 = tpu.memref_slice %arg3[%dma_wait3A_57] : memref<100000xf32, #tpu.memory_space<hbm>> -> memref<100000xf32, #tpu.memory_space<hbm>>
    tpu.wait_indirect_dma semaphore(%arg12 : memref<!tpu.dma_semaphore, #tpu.memory_space<semaphore_mem>>) src(%dma_wait3A_58 : memref<100000xf32, #tpu.memory_space<hbm>>) dst(%dma_wait3A_54 : memref<64xf32, #tpu.memory_space<vmem>>)
    %dma_wait3A_59 = arith.constant 64 : i32
    %dma_wait3A_60 = tpu.memref_slice %arg7[%dma_wait3A_59] : memref<512xf32, #tpu.memory_space<vmem>> -> memref<64xf32, #tpu.memory_space<vmem>>
    %dma_wait3A_61 = arith.constant 64 : i32
    %dma_wait3A_62 = tpu.memref_slice %arg6[%dma_wait3A_61] : memref<512xi32, #tpu.memory_space<vmem>> -> memref<64xi32, #tpu.memory_space<vmem>>
    %dma_wait3A_63 = arith.constant 0 : i32
    %dma_wait3A_64 = tpu.memref_slice %arg3[%dma_wait3A_63] : memref<100000xf32, #tpu.memory_space<hbm>> -> memref<100000xf32, #tpu.memory_space<hbm>>
    tpu.wait_indirect_dma semaphore(%arg12 : memref<!tpu.dma_semaphore, #tpu.memory_space<semaphore_mem>>) src(%dma_wait3A_64 : memref<100000xf32, #tpu.memory_space<hbm>>) dst(%dma_wait3A_60 : memref<64xf32, #tpu.memory_space<vmem>>)
    %dma_wait3A_65 = arith.constant 128 : i32
    %dma_wait3A_66 = tpu.memref_slice %arg7[%dma_wait3A_65] : memref<512xf32, #tpu.memory_space<vmem>> -> memref<64xf32, #tpu.memory_space<vmem>>
    %dma_wait3A_67 = arith.constant 128 : i32
    %dma_wait3A_68 = tpu.memref_slice %arg6[%dma_wait3A_67] : memref<512xi32, #tpu.memory_space<vmem>> -> memref<64xi32, #tpu.memory_space<vmem>>
    %dma_wait3A_69 = arith.constant 0 : i32
    %dma_wait3A_70 = tpu.memref_slice %arg3[%dma_wait3A_69] : memref<100000xf32, #tpu.memory_space<hbm>> -> memref<100000xf32, #tpu.memory_space<hbm>>
    tpu.wait_indirect_dma semaphore(%arg12 : memref<!tpu.dma_semaphore, #tpu.memory_space<semaphore_mem>>) src(%dma_wait3A_70 : memref<100000xf32, #tpu.memory_space<hbm>>) dst(%dma_wait3A_66 : memref<64xf32, #tpu.memory_space<vmem>>)
    %dma_wait3A_71 = arith.constant 192 : i32
    %dma_wait3A_72 = tpu.memref_slice %arg7[%dma_wait3A_71] : memref<512xf32, #tpu.memory_space<vmem>> -> memref<64xf32, #tpu.memory_space<vmem>>
    %dma_wait3A_73 = arith.constant 192 : i32
    %dma_wait3A_74 = tpu.memref_slice %arg6[%dma_wait3A_73] : memref<512xi32, #tpu.memory_space<vmem>> -> memref<64xi32, #tpu.memory_space<vmem>>
    %dma_wait3A_75 = arith.constant 0 : i32
    %dma_wait3A_76 = tpu.memref_slice %arg3[%dma_wait3A_75] : memref<100000xf32, #tpu.memory_space<hbm>> -> memref<100000xf32, #tpu.memory_space<hbm>>
    tpu.wait_indirect_dma semaphore(%arg12 : memref<!tpu.dma_semaphore, #tpu.memory_space<semaphore_mem>>) src(%dma_wait3A_76 : memref<100000xf32, #tpu.memory_space<hbm>>) dst(%dma_wait3A_72 : memref<64xf32, #tpu.memory_space<vmem>>)
    %dma_wait3A_77 = arith.constant 256 : i32
    %dma_wait3A_78 = tpu.memref_slice %arg7[%dma_wait3A_77] : memref<512xf32, #tpu.memory_space<vmem>> -> memref<64xf32, #tpu.memory_space<vmem>>
    %dma_wait3A_79 = arith.constant 256 : i32
    %dma_wait3A_80 = tpu.memref_slice %arg6[%dma_wait3A_79] : memref<512xi32, #tpu.memory_space<vmem>> -> memref<64xi32, #tpu.memory_space<vmem>>
    %dma_wait3A_81 = arith.constant 0 : i32
    %dma_wait3A_82 = tpu.memref_slice %arg3[%dma_wait3A_81] : memref<100000xf32, #tpu.memory_space<hbm>> -> memref<100000xf32, #tpu.memory_space<hbm>>
    tpu.wait_indirect_dma semaphore(%arg12 : memref<!tpu.dma_semaphore, #tpu.memory_space<semaphore_mem>>) src(%dma_wait3A_82 : memref<100000xf32, #tpu.memory_space<hbm>>) dst(%dma_wait3A_78 : memref<64xf32, #tpu.memory_space<vmem>>)
    %dma_wait3A_83 = arith.constant 320 : i32
    %dma_wait3A_84 = tpu.memref_slice %arg7[%dma_wait3A_83] : memref<512xf32, #tpu.memory_space<vmem>> -> memref<64xf32, #tpu.memory_space<vmem>>
    %dma_wait3A_85 = arith.constant 320 : i32
    %dma_wait3A_86 = tpu.memref_slice %arg6[%dma_wait3A_85] : memref<512xi32, #tpu.memory_space<vmem>> -> memref<64xi32, #tpu.memory_space<vmem>>
    %dma_wait3A_87 = arith.constant 0 : i32
    %dma_wait3A_88 = tpu.memref_slice %arg3[%dma_wait3A_87] : memref<100000xf32, #tpu.memory_space<hbm>> -> memref<100000xf32, #tpu.memory_space<hbm>>
    tpu.wait_indirect_dma semaphore(%arg12 : memref<!tpu.dma_semaphore, #tpu.memory_space<semaphore_mem>>) src(%dma_wait3A_88 : memref<100000xf32, #tpu.memory_space<hbm>>) dst(%dma_wait3A_84 : memref<64xf32, #tpu.memory_space<vmem>>)
    %dma_wait3A_89 = arith.constant 384 : i32
    %dma_wait3A_90 = tpu.memref_slice %arg7[%dma_wait3A_89] : memref<512xf32, #tpu.memory_space<vmem>> -> memref<64xf32, #tpu.memory_space<vmem>>
    %dma_wait3A_91 = arith.constant 384 : i32
    %dma_wait3A_92 = tpu.memref_slice %arg6[%dma_wait3A_91] : memref<512xi32, #tpu.memory_space<vmem>> -> memref<64xi32, #tpu.memory_space<vmem>>
    %dma_wait3A_93 = arith.constant 0 : i32
    %dma_wait3A_94 = tpu.memref_slice %arg3[%dma_wait3A_93] : memref<100000xf32, #tpu.memory_space<hbm>> -> memref<100000xf32, #tpu.memory_space<hbm>>
    tpu.wait_indirect_dma semaphore(%arg12 : memref<!tpu.dma_semaphore, #tpu.memory_space<semaphore_mem>>) src(%dma_wait3A_94 : memref<100000xf32, #tpu.memory_space<hbm>>) dst(%dma_wait3A_90 : memref<64xf32, #tpu.memory_space<vmem>>)
    %dma_wait3A_95 = arith.constant 448 : i32
    %dma_wait3A_96 = tpu.memref_slice %arg7[%dma_wait3A_95] : memref<512xf32, #tpu.memory_space<vmem>> -> memref<64xf32, #tpu.memory_space<vmem>>
    %dma_wait3A_97 = arith.constant 448 : i32
    %dma_wait3A_98 = tpu.memref_slice %arg6[%dma_wait3A_97] : memref<512xi32, #tpu.memory_space<vmem>> -> memref<64xi32, #tpu.memory_space<vmem>>
    %dma_wait3A_99 = arith.constant 0 : i32
    %dma_wait3A_100 = tpu.memref_slice %arg3[%dma_wait3A_99] : memref<100000xf32, #tpu.memory_space<hbm>> -> memref<100000xf32, #tpu.memory_space<hbm>>
    tpu.wait_indirect_dma semaphore(%arg12 : memref<!tpu.dma_semaphore, #tpu.memory_space<semaphore_mem>>) src(%dma_wait3A_100 : memref<100000xf32, #tpu.memory_space<hbm>>) dst(%dma_wait3A_96 : memref<64xf32, #tpu.memory_space<vmem>>)
    %get3A = arith.constant 0 : index
    %get3A_101 = tpu.vector_load %arg8[%get3A] {strides = array<i32>} : memref<16xf32, #tpu.memory_space<vmem>>, vector<16xf32>,
    %get3A_102 = arith.constant 0 : index
    %get3A_103 = tpu.vector_load %arg7[%get3A_102] {strides = array<i32>} : memref<512xf32, #tpu.memory_space<vmem>>, vector<16xf32>,
    %add3A_104 = arith.addf %get3A_103, %get3A_101 : vector<16xf32>
    %swap3A = arith.constant 0 : index
    %swap3A_105 = tpu.vector_load %arg9[%swap3A] {strides = array<i32>} : memref<512xf32, #tpu.memory_space<vmem>>, vector<16xf32>,
    tpu.vector_store %arg9[%swap3A], %add3A_104 {strides = array<i32>} : memref<512xf32, #tpu.memory_space<vmem>>, vector<16xf32>,
    %get3A_106 = arith.constant 0 : index
    %get3A_107 = tpu.vector_load %arg8[%get3A_106] {strides = array<i32>} : memref<16xf32, #tpu.memory_space<vmem>>, vector<16xf32>,
    %get3A_108 = arith.constant 16 : index
    %get3A_109 = tpu.vector_load %arg7[%get3A_108] {strides = array<i32>} : memref<512xf32, #tpu.memory_space<vmem>>, vector<16xf32>,
    %add3A_110 = arith.addf %get3A_109, %get3A_107 : vector<16xf32>
    %swap3A_111 = arith.constant 16 : index
    %swap3A_112 = tpu.vector_load %arg9[%swap3A_111] {strides = array<i32>} : memref<512xf32, #tpu.memory_space<vmem>>, vector<16xf32>,
    tpu.vector_store %arg9[%swap3A_111], %add3A_110 {strides = array<i32>} : memref<512xf32, #tpu.memory_space<vmem>>, vector<16xf32>,
    %get3A_113 = arith.constant 0 : index
    %get3A_114 = tpu.vector_load %arg8[%get3A_113] {strides = array<i32>} : memref<16xf32, #tpu.memory_space<vmem>>, vector<16xf32>,
    %get3A_115 = arith.constant 32 : index
    %get3A_116 = tpu.vector_load %arg7[%get3A_115] {strides = array<i32>} : memref<512xf32, #tpu.memory_space<vmem>>, vector<16xf32>,
    %add3A_117 = arith.addf %get3A_116, %get3A_114 : vector<16xf32>
    %swap3A_118 = arith.constant 32 : index
    %swap3A_119 = tpu.vector_load %arg9[%swap3A_118] {strides = array<i32>} : memref<512xf32, #tpu.memory_space<vmem>>, vector<16xf32>,
    tpu.vector_store %arg9[%swap3A_118], %add3A_117 {strides = array<i32>} : memref<512xf32, #tpu.memory_space<vmem>>, vector<16xf32>,
    %get3A_120 = arith.constant 0 : index
    %get3A_121 = tpu.vector_load %arg8[%get3A_120] {strides = array<i32>} : memref<16xf32, #tpu.memory_space<vmem>>, vector<16xf32>,
    %get3A_122 = arith.constant 48 : index
    %get3A_123 = tpu.vector_load %arg7[%get3A_122] {strides = array<i32>} : memref<512xf32, #tpu.memory_space<vmem>>, vector<16xf32>,
    %add3A_124 = arith.addf %get3A_123, %get3A_121 : vector<16xf32>
    %swap3A_125 = arith.constant 48 : index
    %swap3A_126 = tpu.vector_load %arg9[%swap3A_125] {strides = array<i32>} : memref<512xf32, #tpu.memory_space<vmem>>, vector<16xf32>,
    tpu.vector_store %arg9[%swap3A_125], %add3A_124 {strides = array<i32>} : memref<512xf32, #tpu.memory_space<vmem>>, vector<16xf32>,
    %get3A_127 = arith.constant 0 : index
    %get3A_128 = tpu.vector_load %arg8[%get3A_127] {strides = array<i32>} : memref<16xf32, #tpu.memory_space<vmem>>, vector<16xf32>,
    %get3A_129 = arith.constant 64 : index
    %get3A_130 = tpu.vector_load %arg7[%get3A_129] {strides = array<i32>} : memref<512xf32, #tpu.memory_space<vmem>>, vector<16xf32>,
    %add3A_131 = arith.addf %get3A_130, %get3A_128 : vector<16xf32>
    %swap3A_132 = arith.constant 64 : index
    %swap3A_133 = tpu.vector_load %arg9[%swap3A_132] {strides = array<i32>} : memref<512xf32, #tpu.memory_space<vmem>>, vector<16xf32>,
    tpu.vector_store %arg9[%swap3A_132], %add3A_131 {strides = array<i32>} : memref<512xf32, #tpu.memory_space<vmem>>, vector<16xf32>,
    %get3A_134 = arith.constant 0 : index
    %get3A_135 = tpu.vector_load %arg8[%get3A_134] {strides = array<i32>} : memref<16xf32, #tpu.memory_space<vmem>>, vector<16xf32>,
    %get3A_136 = arith.constant 80 : index
    %get3A_137 = tpu.vector_load %arg7[%get3A_136] {strides = array<i32>} : memref<512xf32, #tpu.memory_space<vmem>>, vector<16xf32>,
    %add3A_138 = arith.addf %get3A_137, %get3A_135 : vector<16xf32>
    %swap3A_139 = arith.constant 80 : index
    %swap3A_140 = tpu.vector_load %arg9[%swap3A_139] {strides = array<i32>} : memref<512xf32, #tpu.memory_space<vmem>>, vector<16xf32>,
    tpu.vector_store %arg9[%swap3A_139], %add3A_138 {strides = array<i32>} : memref<512xf32, #tpu.memory_space<vmem>>, vector<16xf32>,
    %get3A_141 = arith.constant 0 : index
    %get3A_142 = tpu.vector_load %arg8[%get3A_141] {strides = array<i32>} : memref<16xf32, #tpu.memory_space<vmem>>, vector<16xf32>,
    %get3A_143 = arith.constant 96 : index
    %get3A_144 = tpu.vector_load %arg7[%get3A_143] {strides = array<i32>} : memref<512xf32, #tpu.memory_space<vmem>>, vector<16xf32>,
    %add3A_145 = arith.addf %get3A_144, %get3A_142 : vector<16xf32>
    %swap3A_146 = arith.constant 96 : index
    %swap3A_147 = tpu.vector_load %arg9[%swap3A_146] {strides = array<i32>} : memref<512xf32, #tpu.memory_space<vmem>>, vector<16xf32>,
    tpu.vector_store %arg9[%swap3A_146], %add3A_145 {strides = array<i32>} : memref<512xf32, #tpu.memory_space<vmem>>, vector<16xf32>,
    %get3A_148 = arith.constant 0 : index
    %get3A_149 = tpu.vector_load %arg8[%get3A_148] {strides = array<i32>} : memref<16xf32, #tpu.memory_space<vmem>>, vector<16xf32>,
    %get3A_150 = arith.constant 112 : index
    %get3A_151 = tpu.vector_load %arg7[%get3A_150] {strides = array<i32>} : memref<512xf32, #tpu.memory_space<vmem>>, vector<16xf32>,
    %add3A_152 = arith.addf %get3A_151, %get3A_149 : vector<16xf32>
    %swap3A_153 = arith.constant 112 : index
    %swap3A_154 = tpu.vector_load %arg9[%swap3A_153] {strides = array<i32>} : memref<512xf32, #tpu.memory_space<vmem>>, vector<16xf32>,
    tpu.vector_store %arg9[%swap3A_153], %add3A_152 {strides = array<i32>} : memref<512xf32, #tpu.memory_space<vmem>>, vector<16xf32>,
    %get3A_155 = arith.constant 0 : index
    %get3A_156 = tpu.vector_load %arg8[%get3A_155] {strides = array<i32>} : memref<16xf32, #tpu.memory_space<vmem>>, vector<16xf32>,
    %get3A_157 = arith.constant 128 : index
    %get3A_158 = tpu.vector_load %arg7[%get3A_157] {strides = array<i32>} : memref<512xf32, #tpu.memory_space<vmem>>, vector<16xf32>,
    %add3A_159 = arith.addf %get3A_158, %get3A_156 : vector<16xf32>
    %swap3A_160 = arith.constant 128 : index
    %swap3A_161 = tpu.vector_load %arg9[%swap3A_160] {strides = array<i32>} : memref<512xf32, #tpu.memory_space<vmem>>, vector<16xf32>,
    tpu.vector_store %arg9[%swap3A_160], %add3A_159 {strides = array<i32>} : memref<512xf32, #tpu.memory_space<vmem>>, vector<16xf32>,
    %get3A_162 = arith.constant 0 : index
    %get3A_163 = tpu.vector_load %arg8[%get3A_162] {strides = array<i32>} : memref<16xf32, #tpu.memory_space<vmem>>, vector<16xf32>,
    %get3A_164 = arith.constant 144 : index
    %get3A_165 = tpu.vector_load %arg7[%get3A_164] {strides = array<i32>} : memref<512xf32, #tpu.memory_space<vmem>>, vector<16xf32>,
    %add3A_166 = arith.addf %get3A_165, %get3A_163 : vector<16xf32>
    %swap3A_167 = arith.constant 144 : index
    %swap3A_168 = tpu.vector_load %arg9[%swap3A_167] {strides = array<i32>} : memref<512xf32, #tpu.memory_space<vmem>>, vector<16xf32>,
    tpu.vector_store %arg9[%swap3A_167], %add3A_166 {strides = array<i32>} : memref<512xf32, #tpu.memory_space<vmem>>, vector<16xf32>,
    %get3A_169 = arith.constant 0 : index
    %get3A_170 = tpu.vector_load %arg8[%get3A_169] {strides = array<i32>} : memref<16xf32, #tpu.memory_space<vmem>>, vector<16xf32>,
    %get3A_171 = arith.constant 160 : index
    %get3A_172 = tpu.vector_load %arg7[%get3A_171] {strides = array<i32>} : memref<512xf32, #tpu.memory_space<vmem>>, vector<16xf32>,
    %add3A_173 = arith.addf %get3A_172, %get3A_170 : vector<16xf32>
    %swap3A_174 = arith.constant 160 : index
    %swap3A_175 = tpu.vector_load %arg9[%swap3A_174] {strides = array<i32>} : memref<512xf32, #tpu.memory_space<vmem>>, vector<16xf32>,
    tpu.vector_store %arg9[%swap3A_174], %add3A_173 {strides = array<i32>} : memref<512xf32, #tpu.memory_space<vmem>>, vector<16xf32>,
    %get3A_176 = arith.constant 0 : index
    %get3A_177 = tpu.vector_load %arg8[%get3A_176] {strides = array<i32>} : memref<16xf32, #tpu.memory_space<vmem>>, vector<16xf32>,
    %get3A_178 = arith.constant 176 : index
    %get3A_179 = tpu.vector_load %arg7[%get3A_178] {strides = array<i32>} : memref<512xf32, #tpu.memory_space<vmem>>, vector<16xf32>,
    %add3A_180 = arith.addf %get3A_179, %get3A_177 : vector<16xf32>
    %swap3A_181 = arith.constant 176 : index
    %swap3A_182 = tpu.vector_load %arg9[%swap3A_181] {strides = array<i32>} : memref<512xf32, #tpu.memory_space<vmem>>, vector<16xf32>,
    tpu.vector_store %arg9[%swap3A_181], %add3A_180 {strides = array<i32>} : memref<512xf32, #tpu.memory_space<vmem>>, vector<16xf32>,
    %get3A_183 = arith.constant 0 : index
    %get3A_184 = tpu.vector_load %arg8[%get3A_183] {strides = array<i32>} : memref<16xf32, #tpu.memory_space<vmem>>, vector<16xf32>,
    %get3A_185 = arith.constant 192 : index
    %get3A_186 = tpu.vector_load %arg7[%get3A_185] {strides = array<i32>} : memref<512xf32, #tpu.memory_space<vmem>>, vector<16xf32>,
    %add3A_187 = arith.addf %get3A_186, %get3A_184 : vector<16xf32>
    %swap3A_188 = arith.constant 192 : index
    %swap3A_189 = tpu.vector_load %arg9[%swap3A_188] {strides = array<i32>} : memref<512xf32, #tpu.memory_space<vmem>>, vector<16xf32>,
    tpu.vector_store %arg9[%swap3A_188], %add3A_187 {strides = array<i32>} : memref<512xf32, #tpu.memory_space<vmem>>, vector<16xf32>,
    %get3A_190 = arith.constant 0 : index
    %get3A_191 = tpu.vector_load %arg8[%get3A_190] {strides = array<i32>} : memref<16xf32, #tpu.memory_space<vmem>>, vector<16xf32>,
    %get3A_192 = arith.constant 208 : index
    %get3A_193 = tpu.vector_load %arg7[%get3A_192] {strides = array<i32>} : memref<512xf32, #tpu.memory_space<vmem>>, vector<16xf32>,
    %add3A_194 = arith.addf %get3A_193, %get3A_191 : vector<16xf32>
    %swap3A_195 = arith.constant 208 : index
    %swap3A_196 = tpu.vector_load %arg9[%swap3A_195] {strides = array<i32>} : memref<512xf32, #tpu.memory_space<vmem>>, vector<16xf32>,
    tpu.vector_store %arg9[%swap3A_195], %add3A_194 {strides = array<i32>} : memref<512xf32, #tpu.memory_space<vmem>>, vector<16xf32>,
    %get3A_197 = arith.constant 0 : index
    %get3A_198 = tpu.vector_load %arg8[%get3A_197] {strides = array<i32>} : memref<16xf32, #tpu.memory_space<vmem>>, vector<16xf32>,
    %get3A_199 = arith.constant 224 : index
    %get3A_200 = tpu.vector_load %arg7[%get3A_199] {strides = array<i32>} : memref<512xf32, #tpu.memory_space<vmem>>, vector<16xf32>,
    %add3A_201 = arith.addf %get3A_200, %get3A_198 : vector<16xf32>
    %swap3A_202 = arith.constant 224 : index
    %swap3A_203 = tpu.vector_load %arg9[%swap3A_202] {strides = array<i32>} : memref<512xf32, #tpu.memory_space<vmem>>, vector<16xf32>,
    tpu.vector_store %arg9[%swap3A_202], %add3A_201 {strides = array<i32>} : memref<512xf32, #tpu.memory_space<vmem>>, vector<16xf32>,
    %get3A_204 = arith.constant 0 : index
    %get3A_205 = tpu.vector_load %arg8[%get3A_204] {strides = array<i32>} : memref<16xf32, #tpu.memory_space<vmem>>, vector<16xf32>,
    %get3A_206 = arith.constant 240 : index
    %get3A_207 = tpu.vector_load %arg7[%get3A_206] {strides = array<i32>} : memref<512xf32, #tpu.memory_space<vmem>>, vector<16xf32>,
    %add3A_208 = arith.addf %get3A_207, %get3A_205 : vector<16xf32>
    %swap3A_209 = arith.constant 240 : index
    %swap3A_210 = tpu.vector_load %arg9[%swap3A_209] {strides = array<i32>} : memref<512xf32, #tpu.memory_space<vmem>>, vector<16xf32>,
    tpu.vector_store %arg9[%swap3A_209], %add3A_208 {strides = array<i32>} : memref<512xf32, #tpu.memory_space<vmem>>, vector<16xf32>,
    %get3A_211 = arith.constant 0 : index
    %get3A_212 = tpu.vector_load %arg8[%get3A_211] {strides = array<i32>} : memref<16xf32, #tpu.memory_space<vmem>>, vector<16xf32>,
    %get3A_213 = arith.constant 256 : index
    %get3A_214 = tpu.vector_load %arg7[%get3A_213] {strides = array<i32>} : memref<512xf32, #tpu.memory_space<vmem>>, vector<16xf32>,
    %add3A_215 = arith.addf %get3A_214, %get3A_212 : vector<16xf32>
    %swap3A_216 = arith.constant 256 : index
    %swap3A_217 = tpu.vector_load %arg9[%swap3A_216] {strides = array<i32>} : memref<512xf32, #tpu.memory_space<vmem>>, vector<16xf32>,
    tpu.vector_store %arg9[%swap3A_216], %add3A_215 {strides = array<i32>} : memref<512xf32, #tpu.memory_space<vmem>>, vector<16xf32>,
    %get3A_218 = arith.constant 0 : index
    %get3A_219 = tpu.vector_load %arg8[%get3A_218] {strides = array<i32>} : memref<16xf32, #tpu.memory_space<vmem>>, vector<16xf32>,
    %get3A_220 = arith.constant 272 : index
    %get3A_221 = tpu.vector_load %arg7[%get3A_220] {strides = array<i32>} : memref<512xf32, #tpu.memory_space<vmem>>, vector<16xf32>,
    %add3A_222 = arith.addf %get3A_221, %get3A_219 : vector<16xf32>
    %swap3A_223 = arith.constant 272 : index
    %swap3A_224 = tpu.vector_load %arg9[%swap3A_223] {strides = array<i32>} : memref<512xf32, #tpu.memory_space<vmem>>, vector<16xf32>,
    tpu.vector_store %arg9[%swap3A_223], %add3A_222 {strides = array<i32>} : memref<512xf32, #tpu.memory_space<vmem>>, vector<16xf32>,
    %get3A_225 = arith.constant 0 : index
    %get3A_226 = tpu.vector_load %arg8[%get3A_225] {strides = array<i32>} : memref<16xf32, #tpu.memory_space<vmem>>, vector<16xf32>,
    %get3A_227 = arith.constant 288 : index
    %get3A_228 = tpu.vector_load %arg7[%get3A_227] {strides = array<i32>} : memref<512xf32, #tpu.memory_space<vmem>>, vector<16xf32>,
    %add3A_229 = arith.addf %get3A_228, %get3A_226 : vector<16xf32>
    %swap3A_230 = arith.constant 288 : index
    %swap3A_231 = tpu.vector_load %arg9[%swap3A_230] {strides = array<i32>} : memref<512xf32, #tpu.memory_space<vmem>>, vector<16xf32>,
    tpu.vector_store %arg9[%swap3A_230], %add3A_229 {strides = array<i32>} : memref<512xf32, #tpu.memory_space<vmem>>, vector<16xf32>,
    %get3A_232 = arith.constant 0 : index
    %get3A_233 = tpu.vector_load %arg8[%get3A_232] {strides = array<i32>} : memref<16xf32, #tpu.memory_space<vmem>>, vector<16xf32>,
    %get3A_234 = arith.constant 304 : index
    %get3A_235 = tpu.vector_load %arg7[%get3A_234] {strides = array<i32>} : memref<512xf32, #tpu.memory_space<vmem>>, vector<16xf32>,
    %add3A_236 = arith.addf %get3A_235, %get3A_233 : vector<16xf32>
    %swap3A_237 = arith.constant 304 : index
    %swap3A_238 = tpu.vector_load %arg9[%swap3A_237] {strides = array<i32>} : memref<512xf32, #tpu.memory_space<vmem>>, vector<16xf32>,
    tpu.vector_store %arg9[%swap3A_237], %add3A_236 {strides = array<i32>} : memref<512xf32, #tpu.memory_space<vmem>>, vector<16xf32>,
    %get3A_239 = arith.constant 0 : index
    %get3A_240 = tpu.vector_load %arg8[%get3A_239] {strides = array<i32>} : memref<16xf32, #tpu.memory_space<vmem>>, vector<16xf32>,
    %get3A_241 = arith.constant 320 : index
    %get3A_242 = tpu.vector_load %arg7[%get3A_241] {strides = array<i32>} : memref<512xf32, #tpu.memory_space<vmem>>, vector<16xf32>,
    %add3A_243 = arith.addf %get3A_242, %get3A_240 : vector<16xf32>
    %swap3A_244 = arith.constant 320 : index
    %swap3A_245 = tpu.vector_load %arg9[%swap3A_244] {strides = array<i32>} : memref<512xf32, #tpu.memory_space<vmem>>, vector<16xf32>,
    tpu.vector_store %arg9[%swap3A_244], %add3A_243 {strides = array<i32>} : memref<512xf32, #tpu.memory_space<vmem>>, vector<16xf32>,
    %get3A_246 = arith.constant 0 : index
    %get3A_247 = tpu.vector_load %arg8[%get3A_246] {strides = array<i32>} : memref<16xf32, #tpu.memory_space<vmem>>, vector<16xf32>,
    %get3A_248 = arith.constant 336 : index
    %get3A_249 = tpu.vector_load %arg7[%get3A_248] {strides = array<i32>} : memref<512xf32, #tpu.memory_space<vmem>>, vector<16xf32>,
    %add3A_250 = arith.addf %get3A_249, %get3A_247 : vector<16xf32>
    %swap3A_251 = arith.constant 336 : index
    %swap3A_252 = tpu.vector_load %arg9[%swap3A_251] {strides = array<i32>} : memref<512xf32, #tpu.memory_space<vmem>>, vector<16xf32>,
    tpu.vector_store %arg9[%swap3A_251], %add3A_250 {strides = array<i32>} : memref<512xf32, #tpu.memory_space<vmem>>, vector<16xf32>,
    %get3A_253 = arith.constant 0 : index
    %get3A_254 = tpu.vector_load %arg8[%get3A_253] {strides = array<i32>} : memref<16xf32, #tpu.memory_space<vmem>>, vector<16xf32>,
    %get3A_255 = arith.constant 352 : index
    %get3A_256 = tpu.vector_load %arg7[%get3A_255] {strides = array<i32>} : memref<512xf32, #tpu.memory_space<vmem>>, vector<16xf32>,
    %add3A_257 = arith.addf %get3A_256, %get3A_254 : vector<16xf32>
    %swap3A_258 = arith.constant 352 : index
    %swap3A_259 = tpu.vector_load %arg9[%swap3A_258] {strides = array<i32>} : memref<512xf32, #tpu.memory_space<vmem>>, vector<16xf32>,
    tpu.vector_store %arg9[%swap3A_258], %add3A_257 {strides = array<i32>} : memref<512xf32, #tpu.memory_space<vmem>>, vector<16xf32>,
    %get3A_260 = arith.constant 0 : index
    %get3A_261 = tpu.vector_load %arg8[%get3A_260] {strides = array<i32>} : memref<16xf32, #tpu.memory_space<vmem>>, vector<16xf32>,
    %get3A_262 = arith.constant 368 : index
    %get3A_263 = tpu.vector_load %arg7[%get3A_262] {strides = array<i32>} : memref<512xf32, #tpu.memory_space<vmem>>, vector<16xf32>,
    %add3A_264 = arith.addf %get3A_263, %get3A_261 : vector<16xf32>
    %swap3A_265 = arith.constant 368 : index
    %swap3A_266 = tpu.vector_load %arg9[%swap3A_265] {strides = array<i32>} : memref<512xf32, #tpu.memory_space<vmem>>, vector<16xf32>,
    tpu.vector_store %arg9[%swap3A_265], %add3A_264 {strides = array<i32>} : memref<512xf32, #tpu.memory_space<vmem>>, vector<16xf32>,
    %get3A_267 = arith.constant 0 : index
    %get3A_268 = tpu.vector_load %arg8[%get3A_267] {strides = array<i32>} : memref<16xf32, #tpu.memory_space<vmem>>, vector<16xf32>,
    %get3A_269 = arith.constant 384 : index
    %get3A_270 = tpu.vector_load %arg7[%get3A_269] {strides = array<i32>} : memref<512xf32, #tpu.memory_space<vmem>>, vector<16xf32>,
    %add3A_271 = arith.addf %get3A_270, %get3A_268 : vector<16xf32>
    %swap3A_272 = arith.constant 384 : index
    %swap3A_273 = tpu.vector_load %arg9[%swap3A_272] {strides = array<i32>} : memref<512xf32, #tpu.memory_space<vmem>>, vector<16xf32>,
    tpu.vector_store %arg9[%swap3A_272], %add3A_271 {strides = array<i32>} : memref<512xf32, #tpu.memory_space<vmem>>, vector<16xf32>,
    %get3A_274 = arith.constant 0 : index
    %get3A_275 = tpu.vector_load %arg8[%get3A_274] {strides = array<i32>} : memref<16xf32, #tpu.memory_space<vmem>>, vector<16xf32>,
    %get3A_276 = arith.constant 400 : index
    %get3A_277 = tpu.vector_load %arg7[%get3A_276] {strides = array<i32>} : memref<512xf32, #tpu.memory_space<vmem>>, vector<16xf32>,
    %add3A_278 = arith.addf %get3A_277, %get3A_275 : vector<16xf32>
    %swap3A_279 = arith.constant 400 : index
    %swap3A_280 = tpu.vector_load %arg9[%swap3A_279] {strides = array<i32>} : memref<512xf32, #tpu.memory_space<vmem>>, vector<16xf32>,
    tpu.vector_store %arg9[%swap3A_279], %add3A_278 {strides = array<i32>} : memref<512xf32, #tpu.memory_space<vmem>>, vector<16xf32>,
    %get3A_281 = arith.constant 0 : index
    %get3A_282 = tpu.vector_load %arg8[%get3A_281] {strides = array<i32>} : memref<16xf32, #tpu.memory_space<vmem>>, vector<16xf32>,
    %get3A_283 = arith.constant 416 : index
    %get3A_284 = tpu.vector_load %arg7[%get3A_283] {strides = array<i32>} : memref<512xf32, #tpu.memory_space<vmem>>, vector<16xf32>,
    %add3A_285 = arith.addf %get3A_284, %get3A_282 : vector<16xf32>
    %swap3A_286 = arith.constant 416 : index
    %swap3A_287 = tpu.vector_load %arg9[%swap3A_286] {strides = array<i32>} : memref<512xf32, #tpu.memory_space<vmem>>, vector<16xf32>,
    tpu.vector_store %arg9[%swap3A_286], %add3A_285 {strides = array<i32>} : memref<512xf32, #tpu.memory_space<vmem>>, vector<16xf32>,
    %get3A_288 = arith.constant 0 : index
    %get3A_289 = tpu.vector_load %arg8[%get3A_288] {strides = array<i32>} : memref<16xf32, #tpu.memory_space<vmem>>, vector<16xf32>,
    %get3A_290 = arith.constant 432 : index
    %get3A_291 = tpu.vector_load %arg7[%get3A_290] {strides = array<i32>} : memref<512xf32, #tpu.memory_space<vmem>>, vector<16xf32>,
    %add3A_292 = arith.addf %get3A_291, %get3A_289 : vector<16xf32>
    %swap3A_293 = arith.constant 432 : index
    %swap3A_294 = tpu.vector_load %arg9[%swap3A_293] {strides = array<i32>} : memref<512xf32, #tpu.memory_space<vmem>>, vector<16xf32>,
    tpu.vector_store %arg9[%swap3A_293], %add3A_292 {strides = array<i32>} : memref<512xf32, #tpu.memory_space<vmem>>, vector<16xf32>,
    %get3A_295 = arith.constant 0 : index
    %get3A_296 = tpu.vector_load %arg8[%get3A_295] {strides = array<i32>} : memref<16xf32, #tpu.memory_space<vmem>>, vector<16xf32>,
    %get3A_297 = arith.constant 448 : index
    %get3A_298 = tpu.vector_load %arg7[%get3A_297] {strides = array<i32>} : memref<512xf32, #tpu.memory_space<vmem>>, vector<16xf32>,
    %add3A_299 = arith.addf %get3A_298, %get3A_296 : vector<16xf32>
    %swap3A_300 = arith.constant 448 : index
    %swap3A_301 = tpu.vector_load %arg9[%swap3A_300] {strides = array<i32>} : memref<512xf32, #tpu.memory_space<vmem>>, vector<16xf32>,
    tpu.vector_store %arg9[%swap3A_300], %add3A_299 {strides = array<i32>} : memref<512xf32, #tpu.memory_space<vmem>>, vector<16xf32>,
    %get3A_302 = arith.constant 0 : index
    %get3A_303 = tpu.vector_load %arg8[%get3A_302] {strides = array<i32>} : memref<16xf32, #tpu.memory_space<vmem>>, vector<16xf32>,
    %get3A_304 = arith.constant 464 : index
    %get3A_305 = tpu.vector_load %arg7[%get3A_304] {strides = array<i32>} : memref<512xf32, #tpu.memory_space<vmem>>, vector<16xf32>,
    %add3A_306 = arith.addf %get3A_305, %get3A_303 : vector<16xf32>
    %swap3A_307 = arith.constant 464 : index
    %swap3A_308 = tpu.vector_load %arg9[%swap3A_307] {strides = array<i32>} : memref<512xf32, #tpu.memory_space<vmem>>, vector<16xf32>,
    tpu.vector_store %arg9[%swap3A_307], %add3A_306 {strides = array<i32>} : memref<512xf32, #tpu.memory_space<vmem>>, vector<16xf32>,
    %get3A_309 = arith.constant 0 : index
    %get3A_310 = tpu.vector_load %arg8[%get3A_309] {strides = array<i32>} : memref<16xf32, #tpu.memory_space<vmem>>, vector<16xf32>,
    %get3A_311 = arith.constant 480 : index
    %get3A_312 = tpu.vector_load %arg7[%get3A_311] {strides = array<i32>} : memref<512xf32, #tpu.memory_space<vmem>>, vector<16xf32>,
    %add3A_313 = arith.addf %get3A_312, %get3A_310 : vector<16xf32>
    %swap3A_314 = arith.constant 480 : index
    %swap3A_315 = tpu.vector_load %arg9[%swap3A_314] {strides = array<i32>} : memref<512xf32, #tpu.memory_space<vmem>>, vector<16xf32>,
    tpu.vector_store %arg9[%swap3A_314], %add3A_313 {strides = array<i32>} : memref<512xf32, #tpu.memory_space<vmem>>, vector<16xf32>,
    %get3A_316 = arith.constant 0 : index
    %get3A_317 = tpu.vector_load %arg8[%get3A_316] {strides = array<i32>} : memref<16xf32, #tpu.memory_space<vmem>>, vector<16xf32>,
    %get3A_318 = arith.constant 496 : index
    %get3A_319 = tpu.vector_load %arg7[%get3A_318] {strides = array<i32>} : memref<512xf32, #tpu.memory_space<vmem>>, vector<16xf32>,
    %add3A_320 = arith.addf %get3A_319, %get3A_317 : vector<16xf32>
    %swap3A_321 = arith.constant 496 : index
    %swap3A_322 = tpu.vector_load %arg9[%swap3A_321] {strides = array<i32>} : memref<512xf32, #tpu.memory_space<vmem>>, vector<16xf32>,
    tpu.vector_store %arg9[%swap3A_321], %add3A_320 {strides = array<i32>} : memref<512xf32, #tpu.memory_space<vmem>>, vector<16xf32>,
    "tpu.region"() ({
      %run_scoped3A = tpu.sem_alloc : memref<!tpu.dma_semaphore, #tpu.memory_space<semaphore_mem>>
      %dma_start3A_323 = tpu.memref_slice %arg5[%mul3A_2] : memref<16384xf32, #tpu.memory_space<hbm>> -> memref<512xf32, #tpu.memory_space<hbm>>
      %dma_start3A_324 = tpu.memref_slice %arg5[%mul3A_2] : memref<16384xf32, #tpu.memory_space<hbm>> -> memref<512xf32, #tpu.memory_space<hbm>>
      tpu.enqueue_dma source(%arg9 : memref<512xf32, #tpu.memory_space<vmem>>) target(%dma_start3A_324 : memref<512xf32, #tpu.memory_space<hbm>>) target_semaphore(%run_scoped3A : memref<!tpu.dma_semaphore, #tpu.memory_space<semaphore_mem>>)
      %dma_wait3A_325 = tpu.memref_slice %arg5[%mul3A_2] : memref<16384xf32, #tpu.memory_space<hbm>> -> memref<512xf32, #tpu.memory_space<hbm>>
      %dma_wait3A_326 = tpu.memref_slice %arg5[%mul3A_2] : memref<16384xf32, #tpu.memory_space<hbm>> -> memref<512xf32, #tpu.memory_space<hbm>>
      tpu.wait_dma2 semaphore(%run_scoped3A : memref<!tpu.dma_semaphore, #tpu.memory_space<semaphore_mem>>) src(%arg9 : memref<512xf32, #tpu.memory_space<vmem>>) dst(%dma_wait3A_326 : memref<512xf32, #tpu.memory_space<hbm>>)
      tpu.yield
    }) : () -> ()
    return
  }
}

#map = affine_map<(d0, d1) -> (0)>
module attributes {stable_mosaic.version = 14 : i64} {
  func.func @_sc_body(%arg0: i32, %arg1: i32, %arg2: memref<16384xi32, #tpu.memory_space<hbm>>, %arg3: memref<1000000xf32, #tpu.memory_space<hbm>>, %arg4: memref<16384xf32, #tpu.memory_space<hbm>>, %arg5: memref<16384xf32, #tpu.memory_space<hbm>>, %arg6: memref<512xi32, #tpu.memory_space<vmem>>, %arg7: memref<512xf32, #tpu.memory_space<vmem>>, %arg8: memref<512xf32, #tpu.memory_space<vmem>>, %arg9: memref<512xf32, #tpu.memory_space<vmem>>, %arg10: memref<!tpu.dma_semaphore, #tpu.memory_space<semaphore_mem>>, %arg11: memref<!tpu.dma_semaphore, #tpu.memory_space<semaphore_mem>>, %arg12: memref<!tpu.dma_semaphore, #tpu.memory_space<semaphore_mem>>) attributes {dimension_semantics = [#tpu.dimension_semantics<core_parallel>, #tpu.dimension_semantics<subcore_parallel>], iteration_bounds = array<i64: 2, 16>, scalar_prefetch = 0 : i64, scratch_operands = 7 : i64, tpu.core_type = #tpu.core_type<sc_vector_subcore>, window_params = [{transform_indices = #map}, {transform_indices = #map}, {transform_indices = #map}, {transform_indices = #map}]} {
    %mul3A = arith.constant 2 : i32
    %mul3A_0 = arith.muli %arg1, %mul3A : i32
    %add3A = arith.addi %mul3A_0, %arg0 : i32
    %mul3A_1 = arith.constant 512 : i32
    %mul3A_2 = arith.muli %add3A, %mul3A_1 : i32
    %dma_start3A = tpu.memref_slice %arg2[%mul3A_2] : memref<16384xi32, #tpu.memory_space<hbm>> -> memref<512xi32, #tpu.memory_space<hbm>>
    %dma_start3A_3 = tpu.memref_slice %arg2[%mul3A_2] : memref<16384xi32, #tpu.memory_space<hbm>> -> memref<512xi32, #tpu.memory_space<hbm>>
    tpu.enqueue_dma source(%dma_start3A_3 : memref<512xi32, #tpu.memory_space<hbm>>) target(%arg6 : memref<512xi32, #tpu.memory_space<vmem>>) target_semaphore(%arg10 : memref<!tpu.dma_semaphore, #tpu.memory_space<semaphore_mem>>)
    %dma_start3A_4 = tpu.memref_slice %arg4[%mul3A_2] : memref<16384xf32, #tpu.memory_space<hbm>> -> memref<512xf32, #tpu.memory_space<hbm>>
    %dma_start3A_5 = tpu.memref_slice %arg4[%mul3A_2] : memref<16384xf32, #tpu.memory_space<hbm>> -> memref<512xf32, #tpu.memory_space<hbm>>
    tpu.enqueue_dma source(%dma_start3A_5 : memref<512xf32, #tpu.memory_space<hbm>>) target(%arg8 : memref<512xf32, #tpu.memory_space<vmem>>) target_semaphore(%arg11 : memref<!tpu.dma_semaphore, #tpu.memory_space<semaphore_mem>>)
    %dma_wait3A = tpu.memref_slice %arg2[%mul3A_2] : memref<16384xi32, #tpu.memory_space<hbm>> -> memref<512xi32, #tpu.memory_space<hbm>>
    %dma_wait3A_6 = tpu.memref_slice %arg2[%mul3A_2] : memref<16384xi32, #tpu.memory_space<hbm>> -> memref<512xi32, #tpu.memory_space<hbm>>
    tpu.wait_dma2 semaphore(%arg10 : memref<!tpu.dma_semaphore, #tpu.memory_space<semaphore_mem>>) src(%dma_wait3A_6 : memref<512xi32, #tpu.memory_space<hbm>>) dst(%arg6 : memref<512xi32, #tpu.memory_space<vmem>>)
    %dma_start3A_7 = arith.constant 0 : i32
    %dma_start3A_8 = tpu.memref_slice %arg7[%dma_start3A_7] : memref<512xf32, #tpu.memory_space<vmem>> -> memref<64xf32, #tpu.memory_space<vmem>>
    %dma_start3A_9 = arith.constant 0 : i32
    %dma_start3A_10 = tpu.memref_slice %arg6[%dma_start3A_9] : memref<512xi32, #tpu.memory_space<vmem>> -> memref<64xi32, #tpu.memory_space<vmem>>
    %dma_start3A_11 = arith.constant 0 : i32
    %dma_start3A_12 = tpu.memref_slice %arg3[%dma_start3A_11] : memref<1000000xf32, #tpu.memory_space<hbm>> -> memref<1000000xf32, #tpu.memory_space<hbm>>
    tpu.enqueue_indirect_dma source(%dma_start3A_12 : memref<1000000xf32, #tpu.memory_space<hbm>>) target(%dma_start3A_8 : memref<64xf32, #tpu.memory_space<vmem>>) offsets(%dma_start3A_10 : memref<64xi32, #tpu.memory_space<vmem>>) semaphore(%arg12 : memref<!tpu.dma_semaphore, #tpu.memory_space<semaphore_mem>>)
    %dma_start3A_13 = arith.constant 64 : i32
    %dma_start3A_14 = tpu.memref_slice %arg7[%dma_start3A_13] : memref<512xf32, #tpu.memory_space<vmem>> -> memref<64xf32, #tpu.memory_space<vmem>>
    %dma_start3A_15 = arith.constant 64 : i32
    %dma_start3A_16 = tpu.memref_slice %arg6[%dma_start3A_15] : memref<512xi32, #tpu.memory_space<vmem>> -> memref<64xi32, #tpu.memory_space<vmem>>
    %dma_start3A_17 = arith.constant 0 : i32
    %dma_start3A_18 = tpu.memref_slice %arg3[%dma_start3A_17] : memref<1000000xf32, #tpu.memory_space<hbm>> -> memref<1000000xf32, #tpu.memory_space<hbm>>
    tpu.enqueue_indirect_dma source(%dma_start3A_18 : memref<1000000xf32, #tpu.memory_space<hbm>>) target(%dma_start3A_14 : memref<64xf32, #tpu.memory_space<vmem>>) offsets(%dma_start3A_16 : memref<64xi32, #tpu.memory_space<vmem>>) semaphore(%arg12 : memref<!tpu.dma_semaphore, #tpu.memory_space<semaphore_mem>>)
    %dma_start3A_19 = arith.constant 128 : i32
    %dma_start3A_20 = tpu.memref_slice %arg7[%dma_start3A_19] : memref<512xf32, #tpu.memory_space<vmem>> -> memref<64xf32, #tpu.memory_space<vmem>>
    %dma_start3A_21 = arith.constant 128 : i32
    %dma_start3A_22 = tpu.memref_slice %arg6[%dma_start3A_21] : memref<512xi32, #tpu.memory_space<vmem>> -> memref<64xi32, #tpu.memory_space<vmem>>
    %dma_start3A_23 = arith.constant 0 : i32
    %dma_start3A_24 = tpu.memref_slice %arg3[%dma_start3A_23] : memref<1000000xf32, #tpu.memory_space<hbm>> -> memref<1000000xf32, #tpu.memory_space<hbm>>
    tpu.enqueue_indirect_dma source(%dma_start3A_24 : memref<1000000xf32, #tpu.memory_space<hbm>>) target(%dma_start3A_20 : memref<64xf32, #tpu.memory_space<vmem>>) offsets(%dma_start3A_22 : memref<64xi32, #tpu.memory_space<vmem>>) semaphore(%arg12 : memref<!tpu.dma_semaphore, #tpu.memory_space<semaphore_mem>>)
    %dma_start3A_25 = arith.constant 192 : i32
    %dma_start3A_26 = tpu.memref_slice %arg7[%dma_start3A_25] : memref<512xf32, #tpu.memory_space<vmem>> -> memref<64xf32, #tpu.memory_space<vmem>>
    %dma_start3A_27 = arith.constant 192 : i32
    %dma_start3A_28 = tpu.memref_slice %arg6[%dma_start3A_27] : memref<512xi32, #tpu.memory_space<vmem>> -> memref<64xi32, #tpu.memory_space<vmem>>
    %dma_start3A_29 = arith.constant 0 : i32
    %dma_start3A_30 = tpu.memref_slice %arg3[%dma_start3A_29] : memref<1000000xf32, #tpu.memory_space<hbm>> -> memref<1000000xf32, #tpu.memory_space<hbm>>
    tpu.enqueue_indirect_dma source(%dma_start3A_30 : memref<1000000xf32, #tpu.memory_space<hbm>>) target(%dma_start3A_26 : memref<64xf32, #tpu.memory_space<vmem>>) offsets(%dma_start3A_28 : memref<64xi32, #tpu.memory_space<vmem>>) semaphore(%arg12 : memref<!tpu.dma_semaphore, #tpu.memory_space<semaphore_mem>>)
    %dma_start3A_31 = arith.constant 256 : i32
    %dma_start3A_32 = tpu.memref_slice %arg7[%dma_start3A_31] : memref<512xf32, #tpu.memory_space<vmem>> -> memref<64xf32, #tpu.memory_space<vmem>>
    %dma_start3A_33 = arith.constant 256 : i32
    %dma_start3A_34 = tpu.memref_slice %arg6[%dma_start3A_33] : memref<512xi32, #tpu.memory_space<vmem>> -> memref<64xi32, #tpu.memory_space<vmem>>
    %dma_start3A_35 = arith.constant 0 : i32
    %dma_start3A_36 = tpu.memref_slice %arg3[%dma_start3A_35] : memref<1000000xf32, #tpu.memory_space<hbm>> -> memref<1000000xf32, #tpu.memory_space<hbm>>
    tpu.enqueue_indirect_dma source(%dma_start3A_36 : memref<1000000xf32, #tpu.memory_space<hbm>>) target(%dma_start3A_32 : memref<64xf32, #tpu.memory_space<vmem>>) offsets(%dma_start3A_34 : memref<64xi32, #tpu.memory_space<vmem>>) semaphore(%arg12 : memref<!tpu.dma_semaphore, #tpu.memory_space<semaphore_mem>>)
    %dma_start3A_37 = arith.constant 320 : i32
    %dma_start3A_38 = tpu.memref_slice %arg7[%dma_start3A_37] : memref<512xf32, #tpu.memory_space<vmem>> -> memref<64xf32, #tpu.memory_space<vmem>>
    %dma_start3A_39 = arith.constant 320 : i32
    %dma_start3A_40 = tpu.memref_slice %arg6[%dma_start3A_39] : memref<512xi32, #tpu.memory_space<vmem>> -> memref<64xi32, #tpu.memory_space<vmem>>
    %dma_start3A_41 = arith.constant 0 : i32
    %dma_start3A_42 = tpu.memref_slice %arg3[%dma_start3A_41] : memref<1000000xf32, #tpu.memory_space<hbm>> -> memref<1000000xf32, #tpu.memory_space<hbm>>
    tpu.enqueue_indirect_dma source(%dma_start3A_42 : memref<1000000xf32, #tpu.memory_space<hbm>>) target(%dma_start3A_38 : memref<64xf32, #tpu.memory_space<vmem>>) offsets(%dma_start3A_40 : memref<64xi32, #tpu.memory_space<vmem>>) semaphore(%arg12 : memref<!tpu.dma_semaphore, #tpu.memory_space<semaphore_mem>>)
    %dma_start3A_43 = arith.constant 384 : i32
    %dma_start3A_44 = tpu.memref_slice %arg7[%dma_start3A_43] : memref<512xf32, #tpu.memory_space<vmem>> -> memref<64xf32, #tpu.memory_space<vmem>>
    %dma_start3A_45 = arith.constant 384 : i32
    %dma_start3A_46 = tpu.memref_slice %arg6[%dma_start3A_45] : memref<512xi32, #tpu.memory_space<vmem>> -> memref<64xi32, #tpu.memory_space<vmem>>
    %dma_start3A_47 = arith.constant 0 : i32
    %dma_start3A_48 = tpu.memref_slice %arg3[%dma_start3A_47] : memref<1000000xf32, #tpu.memory_space<hbm>> -> memref<1000000xf32, #tpu.memory_space<hbm>>
    tpu.enqueue_indirect_dma source(%dma_start3A_48 : memref<1000000xf32, #tpu.memory_space<hbm>>) target(%dma_start3A_44 : memref<64xf32, #tpu.memory_space<vmem>>) offsets(%dma_start3A_46 : memref<64xi32, #tpu.memory_space<vmem>>) semaphore(%arg12 : memref<!tpu.dma_semaphore, #tpu.memory_space<semaphore_mem>>)
    %dma_start3A_49 = arith.constant 448 : i32
    %dma_start3A_50 = tpu.memref_slice %arg7[%dma_start3A_49] : memref<512xf32, #tpu.memory_space<vmem>> -> memref<64xf32, #tpu.memory_space<vmem>>
    %dma_start3A_51 = arith.constant 448 : i32
    %dma_start3A_52 = tpu.memref_slice %arg6[%dma_start3A_51] : memref<512xi32, #tpu.memory_space<vmem>> -> memref<64xi32, #tpu.memory_space<vmem>>
    %dma_start3A_53 = arith.constant 0 : i32
    %dma_start3A_54 = tpu.memref_slice %arg3[%dma_start3A_53] : memref<1000000xf32, #tpu.memory_space<hbm>> -> memref<1000000xf32, #tpu.memory_space<hbm>>
    tpu.enqueue_indirect_dma source(%dma_start3A_54 : memref<1000000xf32, #tpu.memory_space<hbm>>) target(%dma_start3A_50 : memref<64xf32, #tpu.memory_space<vmem>>) offsets(%dma_start3A_52 : memref<64xi32, #tpu.memory_space<vmem>>) semaphore(%arg12 : memref<!tpu.dma_semaphore, #tpu.memory_space<semaphore_mem>>)
    %dma_wait3A_55 = tpu.memref_slice %arg4[%mul3A_2] : memref<16384xf32, #tpu.memory_space<hbm>> -> memref<512xf32, #tpu.memory_space<hbm>>
    %dma_wait3A_56 = tpu.memref_slice %arg4[%mul3A_2] : memref<16384xf32, #tpu.memory_space<hbm>> -> memref<512xf32, #tpu.memory_space<hbm>>
    tpu.wait_dma2 semaphore(%arg11 : memref<!tpu.dma_semaphore, #tpu.memory_space<semaphore_mem>>) src(%dma_wait3A_56 : memref<512xf32, #tpu.memory_space<hbm>>) dst(%arg8 : memref<512xf32, #tpu.memory_space<vmem>>)
    %dma_wait3A_57 = arith.constant 0 : i32
    %dma_wait3A_58 = tpu.memref_slice %arg7[%dma_wait3A_57] : memref<512xf32, #tpu.memory_space<vmem>> -> memref<64xf32, #tpu.memory_space<vmem>>
    %dma_wait3A_59 = arith.constant 0 : i32
    %dma_wait3A_60 = tpu.memref_slice %arg6[%dma_wait3A_59] : memref<512xi32, #tpu.memory_space<vmem>> -> memref<64xi32, #tpu.memory_space<vmem>>
    %dma_wait3A_61 = arith.constant 0 : i32
    %dma_wait3A_62 = tpu.memref_slice %arg3[%dma_wait3A_61] : memref<1000000xf32, #tpu.memory_space<hbm>> -> memref<1000000xf32, #tpu.memory_space<hbm>>
    tpu.wait_indirect_dma semaphore(%arg12 : memref<!tpu.dma_semaphore, #tpu.memory_space<semaphore_mem>>) src(%dma_wait3A_62 : memref<1000000xf32, #tpu.memory_space<hbm>>) dst(%dma_wait3A_58 : memref<64xf32, #tpu.memory_space<vmem>>)
    %dma_wait3A_63 = arith.constant 64 : i32
    %dma_wait3A_64 = tpu.memref_slice %arg7[%dma_wait3A_63] : memref<512xf32, #tpu.memory_space<vmem>> -> memref<64xf32, #tpu.memory_space<vmem>>
    %dma_wait3A_65 = arith.constant 64 : i32
    %dma_wait3A_66 = tpu.memref_slice %arg6[%dma_wait3A_65] : memref<512xi32, #tpu.memory_space<vmem>> -> memref<64xi32, #tpu.memory_space<vmem>>
    %dma_wait3A_67 = arith.constant 0 : i32
    %dma_wait3A_68 = tpu.memref_slice %arg3[%dma_wait3A_67] : memref<1000000xf32, #tpu.memory_space<hbm>> -> memref<1000000xf32, #tpu.memory_space<hbm>>
    tpu.wait_indirect_dma semaphore(%arg12 : memref<!tpu.dma_semaphore, #tpu.memory_space<semaphore_mem>>) src(%dma_wait3A_68 : memref<1000000xf32, #tpu.memory_space<hbm>>) dst(%dma_wait3A_64 : memref<64xf32, #tpu.memory_space<vmem>>)
    %dma_wait3A_69 = arith.constant 128 : i32
    %dma_wait3A_70 = tpu.memref_slice %arg7[%dma_wait3A_69] : memref<512xf32, #tpu.memory_space<vmem>> -> memref<64xf32, #tpu.memory_space<vmem>>
    %dma_wait3A_71 = arith.constant 128 : i32
    %dma_wait3A_72 = tpu.memref_slice %arg6[%dma_wait3A_71] : memref<512xi32, #tpu.memory_space<vmem>> -> memref<64xi32, #tpu.memory_space<vmem>>
    %dma_wait3A_73 = arith.constant 0 : i32
    %dma_wait3A_74 = tpu.memref_slice %arg3[%dma_wait3A_73] : memref<1000000xf32, #tpu.memory_space<hbm>> -> memref<1000000xf32, #tpu.memory_space<hbm>>
    tpu.wait_indirect_dma semaphore(%arg12 : memref<!tpu.dma_semaphore, #tpu.memory_space<semaphore_mem>>) src(%dma_wait3A_74 : memref<1000000xf32, #tpu.memory_space<hbm>>) dst(%dma_wait3A_70 : memref<64xf32, #tpu.memory_space<vmem>>)
    %dma_wait3A_75 = arith.constant 192 : i32
    %dma_wait3A_76 = tpu.memref_slice %arg7[%dma_wait3A_75] : memref<512xf32, #tpu.memory_space<vmem>> -> memref<64xf32, #tpu.memory_space<vmem>>
    %dma_wait3A_77 = arith.constant 192 : i32
    %dma_wait3A_78 = tpu.memref_slice %arg6[%dma_wait3A_77] : memref<512xi32, #tpu.memory_space<vmem>> -> memref<64xi32, #tpu.memory_space<vmem>>
    %dma_wait3A_79 = arith.constant 0 : i32
    %dma_wait3A_80 = tpu.memref_slice %arg3[%dma_wait3A_79] : memref<1000000xf32, #tpu.memory_space<hbm>> -> memref<1000000xf32, #tpu.memory_space<hbm>>
    tpu.wait_indirect_dma semaphore(%arg12 : memref<!tpu.dma_semaphore, #tpu.memory_space<semaphore_mem>>) src(%dma_wait3A_80 : memref<1000000xf32, #tpu.memory_space<hbm>>) dst(%dma_wait3A_76 : memref<64xf32, #tpu.memory_space<vmem>>)
    %dma_wait3A_81 = arith.constant 256 : i32
    %dma_wait3A_82 = tpu.memref_slice %arg7[%dma_wait3A_81] : memref<512xf32, #tpu.memory_space<vmem>> -> memref<64xf32, #tpu.memory_space<vmem>>
    %dma_wait3A_83 = arith.constant 256 : i32
    %dma_wait3A_84 = tpu.memref_slice %arg6[%dma_wait3A_83] : memref<512xi32, #tpu.memory_space<vmem>> -> memref<64xi32, #tpu.memory_space<vmem>>
    %dma_wait3A_85 = arith.constant 0 : i32
    %dma_wait3A_86 = tpu.memref_slice %arg3[%dma_wait3A_85] : memref<1000000xf32, #tpu.memory_space<hbm>> -> memref<1000000xf32, #tpu.memory_space<hbm>>
    tpu.wait_indirect_dma semaphore(%arg12 : memref<!tpu.dma_semaphore, #tpu.memory_space<semaphore_mem>>) src(%dma_wait3A_86 : memref<1000000xf32, #tpu.memory_space<hbm>>) dst(%dma_wait3A_82 : memref<64xf32, #tpu.memory_space<vmem>>)
    %dma_wait3A_87 = arith.constant 320 : i32
    %dma_wait3A_88 = tpu.memref_slice %arg7[%dma_wait3A_87] : memref<512xf32, #tpu.memory_space<vmem>> -> memref<64xf32, #tpu.memory_space<vmem>>
    %dma_wait3A_89 = arith.constant 320 : i32
    %dma_wait3A_90 = tpu.memref_slice %arg6[%dma_wait3A_89] : memref<512xi32, #tpu.memory_space<vmem>> -> memref<64xi32, #tpu.memory_space<vmem>>
    %dma_wait3A_91 = arith.constant 0 : i32
    %dma_wait3A_92 = tpu.memref_slice %arg3[%dma_wait3A_91] : memref<1000000xf32, #tpu.memory_space<hbm>> -> memref<1000000xf32, #tpu.memory_space<hbm>>
    tpu.wait_indirect_dma semaphore(%arg12 : memref<!tpu.dma_semaphore, #tpu.memory_space<semaphore_mem>>) src(%dma_wait3A_92 : memref<1000000xf32, #tpu.memory_space<hbm>>) dst(%dma_wait3A_88 : memref<64xf32, #tpu.memory_space<vmem>>)
    %dma_wait3A_93 = arith.constant 384 : i32
    %dma_wait3A_94 = tpu.memref_slice %arg7[%dma_wait3A_93] : memref<512xf32, #tpu.memory_space<vmem>> -> memref<64xf32, #tpu.memory_space<vmem>>
    %dma_wait3A_95 = arith.constant 384 : i32
    %dma_wait3A_96 = tpu.memref_slice %arg6[%dma_wait3A_95] : memref<512xi32, #tpu.memory_space<vmem>> -> memref<64xi32, #tpu.memory_space<vmem>>
    %dma_wait3A_97 = arith.constant 0 : i32
    %dma_wait3A_98 = tpu.memref_slice %arg3[%dma_wait3A_97] : memref<1000000xf32, #tpu.memory_space<hbm>> -> memref<1000000xf32, #tpu.memory_space<hbm>>
    tpu.wait_indirect_dma semaphore(%arg12 : memref<!tpu.dma_semaphore, #tpu.memory_space<semaphore_mem>>) src(%dma_wait3A_98 : memref<1000000xf32, #tpu.memory_space<hbm>>) dst(%dma_wait3A_94 : memref<64xf32, #tpu.memory_space<vmem>>)
    %dma_wait3A_99 = arith.constant 448 : i32
    %dma_wait3A_100 = tpu.memref_slice %arg7[%dma_wait3A_99] : memref<512xf32, #tpu.memory_space<vmem>> -> memref<64xf32, #tpu.memory_space<vmem>>
    %dma_wait3A_101 = arith.constant 448 : i32
    %dma_wait3A_102 = tpu.memref_slice %arg6[%dma_wait3A_101] : memref<512xi32, #tpu.memory_space<vmem>> -> memref<64xi32, #tpu.memory_space<vmem>>
    %dma_wait3A_103 = arith.constant 0 : i32
    %dma_wait3A_104 = tpu.memref_slice %arg3[%dma_wait3A_103] : memref<1000000xf32, #tpu.memory_space<hbm>> -> memref<1000000xf32, #tpu.memory_space<hbm>>
    tpu.wait_indirect_dma semaphore(%arg12 : memref<!tpu.dma_semaphore, #tpu.memory_space<semaphore_mem>>) src(%dma_wait3A_104 : memref<1000000xf32, #tpu.memory_space<hbm>>) dst(%dma_wait3A_100 : memref<64xf32, #tpu.memory_space<vmem>>)
    %get3A = arith.constant 0 : index
    %get3A_105 = tpu.vector_load %arg8[%get3A] {strides = array<i32>} : memref<512xf32, #tpu.memory_space<vmem>>, vector<16xf32>,
    %get3A_106 = arith.constant 0 : index
    %get3A_107 = tpu.vector_load %arg7[%get3A_106] {strides = array<i32>} : memref<512xf32, #tpu.memory_space<vmem>>, vector<16xf32>,
    %add3A_108 = arith.addf %get3A_107, %get3A_105 : vector<16xf32>
    %swap3A = arith.constant 0 : index
    %swap3A_109 = tpu.vector_load %arg9[%swap3A] {strides = array<i32>} : memref<512xf32, #tpu.memory_space<vmem>>, vector<16xf32>,
    tpu.vector_store %arg9[%swap3A], %add3A_108 {strides = array<i32>} : memref<512xf32, #tpu.memory_space<vmem>>, vector<16xf32>,
    %get3A_110 = arith.constant 16 : index
    %get3A_111 = tpu.vector_load %arg8[%get3A_110] {strides = array<i32>} : memref<512xf32, #tpu.memory_space<vmem>>, vector<16xf32>,
    %get3A_112 = arith.constant 16 : index
    %get3A_113 = tpu.vector_load %arg7[%get3A_112] {strides = array<i32>} : memref<512xf32, #tpu.memory_space<vmem>>, vector<16xf32>,
    %add3A_114 = arith.addf %get3A_113, %get3A_111 : vector<16xf32>
    %swap3A_115 = arith.constant 16 : index
    %swap3A_116 = tpu.vector_load %arg9[%swap3A_115] {strides = array<i32>} : memref<512xf32, #tpu.memory_space<vmem>>, vector<16xf32>,
    tpu.vector_store %arg9[%swap3A_115], %add3A_114 {strides = array<i32>} : memref<512xf32, #tpu.memory_space<vmem>>, vector<16xf32>,
    %get3A_117 = arith.constant 32 : index
    %get3A_118 = tpu.vector_load %arg8[%get3A_117] {strides = array<i32>} : memref<512xf32, #tpu.memory_space<vmem>>, vector<16xf32>,
    %get3A_119 = arith.constant 32 : index
    %get3A_120 = tpu.vector_load %arg7[%get3A_119] {strides = array<i32>} : memref<512xf32, #tpu.memory_space<vmem>>, vector<16xf32>,
    %add3A_121 = arith.addf %get3A_120, %get3A_118 : vector<16xf32>
    %swap3A_122 = arith.constant 32 : index
    %swap3A_123 = tpu.vector_load %arg9[%swap3A_122] {strides = array<i32>} : memref<512xf32, #tpu.memory_space<vmem>>, vector<16xf32>,
    tpu.vector_store %arg9[%swap3A_122], %add3A_121 {strides = array<i32>} : memref<512xf32, #tpu.memory_space<vmem>>, vector<16xf32>,
    %get3A_124 = arith.constant 48 : index
    %get3A_125 = tpu.vector_load %arg8[%get3A_124] {strides = array<i32>} : memref<512xf32, #tpu.memory_space<vmem>>, vector<16xf32>,
    %get3A_126 = arith.constant 48 : index
    %get3A_127 = tpu.vector_load %arg7[%get3A_126] {strides = array<i32>} : memref<512xf32, #tpu.memory_space<vmem>>, vector<16xf32>,
    %add3A_128 = arith.addf %get3A_127, %get3A_125 : vector<16xf32>
    %swap3A_129 = arith.constant 48 : index
    %swap3A_130 = tpu.vector_load %arg9[%swap3A_129] {strides = array<i32>} : memref<512xf32, #tpu.memory_space<vmem>>, vector<16xf32>,
    tpu.vector_store %arg9[%swap3A_129], %add3A_128 {strides = array<i32>} : memref<512xf32, #tpu.memory_space<vmem>>, vector<16xf32>,
    %get3A_131 = arith.constant 64 : index
    %get3A_132 = tpu.vector_load %arg8[%get3A_131] {strides = array<i32>} : memref<512xf32, #tpu.memory_space<vmem>>, vector<16xf32>,
    %get3A_133 = arith.constant 64 : index
    %get3A_134 = tpu.vector_load %arg7[%get3A_133] {strides = array<i32>} : memref<512xf32, #tpu.memory_space<vmem>>, vector<16xf32>,
    %add3A_135 = arith.addf %get3A_134, %get3A_132 : vector<16xf32>
    %swap3A_136 = arith.constant 64 : index
    %swap3A_137 = tpu.vector_load %arg9[%swap3A_136] {strides = array<i32>} : memref<512xf32, #tpu.memory_space<vmem>>, vector<16xf32>,
    tpu.vector_store %arg9[%swap3A_136], %add3A_135 {strides = array<i32>} : memref<512xf32, #tpu.memory_space<vmem>>, vector<16xf32>,
    %get3A_138 = arith.constant 80 : index
    %get3A_139 = tpu.vector_load %arg8[%get3A_138] {strides = array<i32>} : memref<512xf32, #tpu.memory_space<vmem>>, vector<16xf32>,
    %get3A_140 = arith.constant 80 : index
    %get3A_141 = tpu.vector_load %arg7[%get3A_140] {strides = array<i32>} : memref<512xf32, #tpu.memory_space<vmem>>, vector<16xf32>,
    %add3A_142 = arith.addf %get3A_141, %get3A_139 : vector<16xf32>
    %swap3A_143 = arith.constant 80 : index
    %swap3A_144 = tpu.vector_load %arg9[%swap3A_143] {strides = array<i32>} : memref<512xf32, #tpu.memory_space<vmem>>, vector<16xf32>,
    tpu.vector_store %arg9[%swap3A_143], %add3A_142 {strides = array<i32>} : memref<512xf32, #tpu.memory_space<vmem>>, vector<16xf32>,
    %get3A_145 = arith.constant 96 : index
    %get3A_146 = tpu.vector_load %arg8[%get3A_145] {strides = array<i32>} : memref<512xf32, #tpu.memory_space<vmem>>, vector<16xf32>,
    %get3A_147 = arith.constant 96 : index
    %get3A_148 = tpu.vector_load %arg7[%get3A_147] {strides = array<i32>} : memref<512xf32, #tpu.memory_space<vmem>>, vector<16xf32>,
    %add3A_149 = arith.addf %get3A_148, %get3A_146 : vector<16xf32>
    %swap3A_150 = arith.constant 96 : index
    %swap3A_151 = tpu.vector_load %arg9[%swap3A_150] {strides = array<i32>} : memref<512xf32, #tpu.memory_space<vmem>>, vector<16xf32>,
    tpu.vector_store %arg9[%swap3A_150], %add3A_149 {strides = array<i32>} : memref<512xf32, #tpu.memory_space<vmem>>, vector<16xf32>,
    %get3A_152 = arith.constant 112 : index
    %get3A_153 = tpu.vector_load %arg8[%get3A_152] {strides = array<i32>} : memref<512xf32, #tpu.memory_space<vmem>>, vector<16xf32>,
    %get3A_154 = arith.constant 112 : index
    %get3A_155 = tpu.vector_load %arg7[%get3A_154] {strides = array<i32>} : memref<512xf32, #tpu.memory_space<vmem>>, vector<16xf32>,
    %add3A_156 = arith.addf %get3A_155, %get3A_153 : vector<16xf32>
    %swap3A_157 = arith.constant 112 : index
    %swap3A_158 = tpu.vector_load %arg9[%swap3A_157] {strides = array<i32>} : memref<512xf32, #tpu.memory_space<vmem>>, vector<16xf32>,
    tpu.vector_store %arg9[%swap3A_157], %add3A_156 {strides = array<i32>} : memref<512xf32, #tpu.memory_space<vmem>>, vector<16xf32>,
    %get3A_159 = arith.constant 128 : index
    %get3A_160 = tpu.vector_load %arg8[%get3A_159] {strides = array<i32>} : memref<512xf32, #tpu.memory_space<vmem>>, vector<16xf32>,
    %get3A_161 = arith.constant 128 : index
    %get3A_162 = tpu.vector_load %arg7[%get3A_161] {strides = array<i32>} : memref<512xf32, #tpu.memory_space<vmem>>, vector<16xf32>,
    %add3A_163 = arith.addf %get3A_162, %get3A_160 : vector<16xf32>
    %swap3A_164 = arith.constant 128 : index
    %swap3A_165 = tpu.vector_load %arg9[%swap3A_164] {strides = array<i32>} : memref<512xf32, #tpu.memory_space<vmem>>, vector<16xf32>,
    tpu.vector_store %arg9[%swap3A_164], %add3A_163 {strides = array<i32>} : memref<512xf32, #tpu.memory_space<vmem>>, vector<16xf32>,
    %get3A_166 = arith.constant 144 : index
    %get3A_167 = tpu.vector_load %arg8[%get3A_166] {strides = array<i32>} : memref<512xf32, #tpu.memory_space<vmem>>, vector<16xf32>,
    %get3A_168 = arith.constant 144 : index
    %get3A_169 = tpu.vector_load %arg7[%get3A_168] {strides = array<i32>} : memref<512xf32, #tpu.memory_space<vmem>>, vector<16xf32>,
    %add3A_170 = arith.addf %get3A_169, %get3A_167 : vector<16xf32>
    %swap3A_171 = arith.constant 144 : index
    %swap3A_172 = tpu.vector_load %arg9[%swap3A_171] {strides = array<i32>} : memref<512xf32, #tpu.memory_space<vmem>>, vector<16xf32>,
    tpu.vector_store %arg9[%swap3A_171], %add3A_170 {strides = array<i32>} : memref<512xf32, #tpu.memory_space<vmem>>, vector<16xf32>,
    %get3A_173 = arith.constant 160 : index
    %get3A_174 = tpu.vector_load %arg8[%get3A_173] {strides = array<i32>} : memref<512xf32, #tpu.memory_space<vmem>>, vector<16xf32>,
    %get3A_175 = arith.constant 160 : index
    %get3A_176 = tpu.vector_load %arg7[%get3A_175] {strides = array<i32>} : memref<512xf32, #tpu.memory_space<vmem>>, vector<16xf32>,
    %add3A_177 = arith.addf %get3A_176, %get3A_174 : vector<16xf32>
    %swap3A_178 = arith.constant 160 : index
    %swap3A_179 = tpu.vector_load %arg9[%swap3A_178] {strides = array<i32>} : memref<512xf32, #tpu.memory_space<vmem>>, vector<16xf32>,
    tpu.vector_store %arg9[%swap3A_178], %add3A_177 {strides = array<i32>} : memref<512xf32, #tpu.memory_space<vmem>>, vector<16xf32>,
    %get3A_180 = arith.constant 176 : index
    %get3A_181 = tpu.vector_load %arg8[%get3A_180] {strides = array<i32>} : memref<512xf32, #tpu.memory_space<vmem>>, vector<16xf32>,
    %get3A_182 = arith.constant 176 : index
    %get3A_183 = tpu.vector_load %arg7[%get3A_182] {strides = array<i32>} : memref<512xf32, #tpu.memory_space<vmem>>, vector<16xf32>,
    %add3A_184 = arith.addf %get3A_183, %get3A_181 : vector<16xf32>
    %swap3A_185 = arith.constant 176 : index
    %swap3A_186 = tpu.vector_load %arg9[%swap3A_185] {strides = array<i32>} : memref<512xf32, #tpu.memory_space<vmem>>, vector<16xf32>,
    tpu.vector_store %arg9[%swap3A_185], %add3A_184 {strides = array<i32>} : memref<512xf32, #tpu.memory_space<vmem>>, vector<16xf32>,
    %get3A_187 = arith.constant 192 : index
    %get3A_188 = tpu.vector_load %arg8[%get3A_187] {strides = array<i32>} : memref<512xf32, #tpu.memory_space<vmem>>, vector<16xf32>,
    %get3A_189 = arith.constant 192 : index
    %get3A_190 = tpu.vector_load %arg7[%get3A_189] {strides = array<i32>} : memref<512xf32, #tpu.memory_space<vmem>>, vector<16xf32>,
    %add3A_191 = arith.addf %get3A_190, %get3A_188 : vector<16xf32>
    %swap3A_192 = arith.constant 192 : index
    %swap3A_193 = tpu.vector_load %arg9[%swap3A_192] {strides = array<i32>} : memref<512xf32, #tpu.memory_space<vmem>>, vector<16xf32>,
    tpu.vector_store %arg9[%swap3A_192], %add3A_191 {strides = array<i32>} : memref<512xf32, #tpu.memory_space<vmem>>, vector<16xf32>,
    %get3A_194 = arith.constant 208 : index
    %get3A_195 = tpu.vector_load %arg8[%get3A_194] {strides = array<i32>} : memref<512xf32, #tpu.memory_space<vmem>>, vector<16xf32>,
    %get3A_196 = arith.constant 208 : index
    %get3A_197 = tpu.vector_load %arg7[%get3A_196] {strides = array<i32>} : memref<512xf32, #tpu.memory_space<vmem>>, vector<16xf32>,
    %add3A_198 = arith.addf %get3A_197, %get3A_195 : vector<16xf32>
    %swap3A_199 = arith.constant 208 : index
    %swap3A_200 = tpu.vector_load %arg9[%swap3A_199] {strides = array<i32>} : memref<512xf32, #tpu.memory_space<vmem>>, vector<16xf32>,
    tpu.vector_store %arg9[%swap3A_199], %add3A_198 {strides = array<i32>} : memref<512xf32, #tpu.memory_space<vmem>>, vector<16xf32>,
    %get3A_201 = arith.constant 224 : index
    %get3A_202 = tpu.vector_load %arg8[%get3A_201] {strides = array<i32>} : memref<512xf32, #tpu.memory_space<vmem>>, vector<16xf32>,
    %get3A_203 = arith.constant 224 : index
    %get3A_204 = tpu.vector_load %arg7[%get3A_203] {strides = array<i32>} : memref<512xf32, #tpu.memory_space<vmem>>, vector<16xf32>,
    %add3A_205 = arith.addf %get3A_204, %get3A_202 : vector<16xf32>
    %swap3A_206 = arith.constant 224 : index
    %swap3A_207 = tpu.vector_load %arg9[%swap3A_206] {strides = array<i32>} : memref<512xf32, #tpu.memory_space<vmem>>, vector<16xf32>,
    tpu.vector_store %arg9[%swap3A_206], %add3A_205 {strides = array<i32>} : memref<512xf32, #tpu.memory_space<vmem>>, vector<16xf32>,
    %get3A_208 = arith.constant 240 : index
    %get3A_209 = tpu.vector_load %arg8[%get3A_208] {strides = array<i32>} : memref<512xf32, #tpu.memory_space<vmem>>, vector<16xf32>,
    %get3A_210 = arith.constant 240 : index
    %get3A_211 = tpu.vector_load %arg7[%get3A_210] {strides = array<i32>} : memref<512xf32, #tpu.memory_space<vmem>>, vector<16xf32>,
    %add3A_212 = arith.addf %get3A_211, %get3A_209 : vector<16xf32>
    %swap3A_213 = arith.constant 240 : index
    %swap3A_214 = tpu.vector_load %arg9[%swap3A_213] {strides = array<i32>} : memref<512xf32, #tpu.memory_space<vmem>>, vector<16xf32>,
    tpu.vector_store %arg9[%swap3A_213], %add3A_212 {strides = array<i32>} : memref<512xf32, #tpu.memory_space<vmem>>, vector<16xf32>,
    %get3A_215 = arith.constant 256 : index
    %get3A_216 = tpu.vector_load %arg8[%get3A_215] {strides = array<i32>} : memref<512xf32, #tpu.memory_space<vmem>>, vector<16xf32>,
    %get3A_217 = arith.constant 256 : index
    %get3A_218 = tpu.vector_load %arg7[%get3A_217] {strides = array<i32>} : memref<512xf32, #tpu.memory_space<vmem>>, vector<16xf32>,
    %add3A_219 = arith.addf %get3A_218, %get3A_216 : vector<16xf32>
    %swap3A_220 = arith.constant 256 : index
    %swap3A_221 = tpu.vector_load %arg9[%swap3A_220] {strides = array<i32>} : memref<512xf32, #tpu.memory_space<vmem>>, vector<16xf32>,
    tpu.vector_store %arg9[%swap3A_220], %add3A_219 {strides = array<i32>} : memref<512xf32, #tpu.memory_space<vmem>>, vector<16xf32>,
    %get3A_222 = arith.constant 272 : index
    %get3A_223 = tpu.vector_load %arg8[%get3A_222] {strides = array<i32>} : memref<512xf32, #tpu.memory_space<vmem>>, vector<16xf32>,
    %get3A_224 = arith.constant 272 : index
    %get3A_225 = tpu.vector_load %arg7[%get3A_224] {strides = array<i32>} : memref<512xf32, #tpu.memory_space<vmem>>, vector<16xf32>,
    %add3A_226 = arith.addf %get3A_225, %get3A_223 : vector<16xf32>
    %swap3A_227 = arith.constant 272 : index
    %swap3A_228 = tpu.vector_load %arg9[%swap3A_227] {strides = array<i32>} : memref<512xf32, #tpu.memory_space<vmem>>, vector<16xf32>,
    tpu.vector_store %arg9[%swap3A_227], %add3A_226 {strides = array<i32>} : memref<512xf32, #tpu.memory_space<vmem>>, vector<16xf32>,
    %get3A_229 = arith.constant 288 : index
    %get3A_230 = tpu.vector_load %arg8[%get3A_229] {strides = array<i32>} : memref<512xf32, #tpu.memory_space<vmem>>, vector<16xf32>,
    %get3A_231 = arith.constant 288 : index
    %get3A_232 = tpu.vector_load %arg7[%get3A_231] {strides = array<i32>} : memref<512xf32, #tpu.memory_space<vmem>>, vector<16xf32>,
    %add3A_233 = arith.addf %get3A_232, %get3A_230 : vector<16xf32>
    %swap3A_234 = arith.constant 288 : index
    %swap3A_235 = tpu.vector_load %arg9[%swap3A_234] {strides = array<i32>} : memref<512xf32, #tpu.memory_space<vmem>>, vector<16xf32>,
    tpu.vector_store %arg9[%swap3A_234], %add3A_233 {strides = array<i32>} : memref<512xf32, #tpu.memory_space<vmem>>, vector<16xf32>,
    %get3A_236 = arith.constant 304 : index
    %get3A_237 = tpu.vector_load %arg8[%get3A_236] {strides = array<i32>} : memref<512xf32, #tpu.memory_space<vmem>>, vector<16xf32>,
    %get3A_238 = arith.constant 304 : index
    %get3A_239 = tpu.vector_load %arg7[%get3A_238] {strides = array<i32>} : memref<512xf32, #tpu.memory_space<vmem>>, vector<16xf32>,
    %add3A_240 = arith.addf %get3A_239, %get3A_237 : vector<16xf32>
    %swap3A_241 = arith.constant 304 : index
    %swap3A_242 = tpu.vector_load %arg9[%swap3A_241] {strides = array<i32>} : memref<512xf32, #tpu.memory_space<vmem>>, vector<16xf32>,
    tpu.vector_store %arg9[%swap3A_241], %add3A_240 {strides = array<i32>} : memref<512xf32, #tpu.memory_space<vmem>>, vector<16xf32>,
    %get3A_243 = arith.constant 320 : index
    %get3A_244 = tpu.vector_load %arg8[%get3A_243] {strides = array<i32>} : memref<512xf32, #tpu.memory_space<vmem>>, vector<16xf32>,
    %get3A_245 = arith.constant 320 : index
    %get3A_246 = tpu.vector_load %arg7[%get3A_245] {strides = array<i32>} : memref<512xf32, #tpu.memory_space<vmem>>, vector<16xf32>,
    %add3A_247 = arith.addf %get3A_246, %get3A_244 : vector<16xf32>
    %swap3A_248 = arith.constant 320 : index
    %swap3A_249 = tpu.vector_load %arg9[%swap3A_248] {strides = array<i32>} : memref<512xf32, #tpu.memory_space<vmem>>, vector<16xf32>,
    tpu.vector_store %arg9[%swap3A_248], %add3A_247 {strides = array<i32>} : memref<512xf32, #tpu.memory_space<vmem>>, vector<16xf32>,
    %get3A_250 = arith.constant 336 : index
    %get3A_251 = tpu.vector_load %arg8[%get3A_250] {strides = array<i32>} : memref<512xf32, #tpu.memory_space<vmem>>, vector<16xf32>,
    %get3A_252 = arith.constant 336 : index
    %get3A_253 = tpu.vector_load %arg7[%get3A_252] {strides = array<i32>} : memref<512xf32, #tpu.memory_space<vmem>>, vector<16xf32>,
    %add3A_254 = arith.addf %get3A_253, %get3A_251 : vector<16xf32>
    %swap3A_255 = arith.constant 336 : index
    %swap3A_256 = tpu.vector_load %arg9[%swap3A_255] {strides = array<i32>} : memref<512xf32, #tpu.memory_space<vmem>>, vector<16xf32>,
    tpu.vector_store %arg9[%swap3A_255], %add3A_254 {strides = array<i32>} : memref<512xf32, #tpu.memory_space<vmem>>, vector<16xf32>,
    %get3A_257 = arith.constant 352 : index
    %get3A_258 = tpu.vector_load %arg8[%get3A_257] {strides = array<i32>} : memref<512xf32, #tpu.memory_space<vmem>>, vector<16xf32>,
    %get3A_259 = arith.constant 352 : index
    %get3A_260 = tpu.vector_load %arg7[%get3A_259] {strides = array<i32>} : memref<512xf32, #tpu.memory_space<vmem>>, vector<16xf32>,
    %add3A_261 = arith.addf %get3A_260, %get3A_258 : vector<16xf32>
    %swap3A_262 = arith.constant 352 : index
    %swap3A_263 = tpu.vector_load %arg9[%swap3A_262] {strides = array<i32>} : memref<512xf32, #tpu.memory_space<vmem>>, vector<16xf32>,
    tpu.vector_store %arg9[%swap3A_262], %add3A_261 {strides = array<i32>} : memref<512xf32, #tpu.memory_space<vmem>>, vector<16xf32>,
    %get3A_264 = arith.constant 368 : index
    %get3A_265 = tpu.vector_load %arg8[%get3A_264] {strides = array<i32>} : memref<512xf32, #tpu.memory_space<vmem>>, vector<16xf32>,
    %get3A_266 = arith.constant 368 : index
    %get3A_267 = tpu.vector_load %arg7[%get3A_266] {strides = array<i32>} : memref<512xf32, #tpu.memory_space<vmem>>, vector<16xf32>,
    %add3A_268 = arith.addf %get3A_267, %get3A_265 : vector<16xf32>
    %swap3A_269 = arith.constant 368 : index
    %swap3A_270 = tpu.vector_load %arg9[%swap3A_269] {strides = array<i32>} : memref<512xf32, #tpu.memory_space<vmem>>, vector<16xf32>,
    tpu.vector_store %arg9[%swap3A_269], %add3A_268 {strides = array<i32>} : memref<512xf32, #tpu.memory_space<vmem>>, vector<16xf32>,
    %get3A_271 = arith.constant 384 : index
    %get3A_272 = tpu.vector_load %arg8[%get3A_271] {strides = array<i32>} : memref<512xf32, #tpu.memory_space<vmem>>, vector<16xf32>,
    %get3A_273 = arith.constant 384 : index
    %get3A_274 = tpu.vector_load %arg7[%get3A_273] {strides = array<i32>} : memref<512xf32, #tpu.memory_space<vmem>>, vector<16xf32>,
    %add3A_275 = arith.addf %get3A_274, %get3A_272 : vector<16xf32>
    %swap3A_276 = arith.constant 384 : index
    %swap3A_277 = tpu.vector_load %arg9[%swap3A_276] {strides = array<i32>} : memref<512xf32, #tpu.memory_space<vmem>>, vector<16xf32>,
    tpu.vector_store %arg9[%swap3A_276], %add3A_275 {strides = array<i32>} : memref<512xf32, #tpu.memory_space<vmem>>, vector<16xf32>,
    %get3A_278 = arith.constant 400 : index
    %get3A_279 = tpu.vector_load %arg8[%get3A_278] {strides = array<i32>} : memref<512xf32, #tpu.memory_space<vmem>>, vector<16xf32>,
    %get3A_280 = arith.constant 400 : index
    %get3A_281 = tpu.vector_load %arg7[%get3A_280] {strides = array<i32>} : memref<512xf32, #tpu.memory_space<vmem>>, vector<16xf32>,
    %add3A_282 = arith.addf %get3A_281, %get3A_279 : vector<16xf32>
    %swap3A_283 = arith.constant 400 : index
    %swap3A_284 = tpu.vector_load %arg9[%swap3A_283] {strides = array<i32>} : memref<512xf32, #tpu.memory_space<vmem>>, vector<16xf32>,
    tpu.vector_store %arg9[%swap3A_283], %add3A_282 {strides = array<i32>} : memref<512xf32, #tpu.memory_space<vmem>>, vector<16xf32>,
    %get3A_285 = arith.constant 416 : index
    %get3A_286 = tpu.vector_load %arg8[%get3A_285] {strides = array<i32>} : memref<512xf32, #tpu.memory_space<vmem>>, vector<16xf32>,
    %get3A_287 = arith.constant 416 : index
    %get3A_288 = tpu.vector_load %arg7[%get3A_287] {strides = array<i32>} : memref<512xf32, #tpu.memory_space<vmem>>, vector<16xf32>,
    %add3A_289 = arith.addf %get3A_288, %get3A_286 : vector<16xf32>
    %swap3A_290 = arith.constant 416 : index
    %swap3A_291 = tpu.vector_load %arg9[%swap3A_290] {strides = array<i32>} : memref<512xf32, #tpu.memory_space<vmem>>, vector<16xf32>,
    tpu.vector_store %arg9[%swap3A_290], %add3A_289 {strides = array<i32>} : memref<512xf32, #tpu.memory_space<vmem>>, vector<16xf32>,
    %get3A_292 = arith.constant 432 : index
    %get3A_293 = tpu.vector_load %arg8[%get3A_292] {strides = array<i32>} : memref<512xf32, #tpu.memory_space<vmem>>, vector<16xf32>,
    %get3A_294 = arith.constant 432 : index
    %get3A_295 = tpu.vector_load %arg7[%get3A_294] {strides = array<i32>} : memref<512xf32, #tpu.memory_space<vmem>>, vector<16xf32>,
    %add3A_296 = arith.addf %get3A_295, %get3A_293 : vector<16xf32>
    %swap3A_297 = arith.constant 432 : index
    %swap3A_298 = tpu.vector_load %arg9[%swap3A_297] {strides = array<i32>} : memref<512xf32, #tpu.memory_space<vmem>>, vector<16xf32>,
    tpu.vector_store %arg9[%swap3A_297], %add3A_296 {strides = array<i32>} : memref<512xf32, #tpu.memory_space<vmem>>, vector<16xf32>,
    %get3A_299 = arith.constant 448 : index
    %get3A_300 = tpu.vector_load %arg8[%get3A_299] {strides = array<i32>} : memref<512xf32, #tpu.memory_space<vmem>>, vector<16xf32>,
    %get3A_301 = arith.constant 448 : index
    %get3A_302 = tpu.vector_load %arg7[%get3A_301] {strides = array<i32>} : memref<512xf32, #tpu.memory_space<vmem>>, vector<16xf32>,
    %add3A_303 = arith.addf %get3A_302, %get3A_300 : vector<16xf32>
    %swap3A_304 = arith.constant 448 : index
    %swap3A_305 = tpu.vector_load %arg9[%swap3A_304] {strides = array<i32>} : memref<512xf32, #tpu.memory_space<vmem>>, vector<16xf32>,
    tpu.vector_store %arg9[%swap3A_304], %add3A_303 {strides = array<i32>} : memref<512xf32, #tpu.memory_space<vmem>>, vector<16xf32>,
    %get3A_306 = arith.constant 464 : index
    %get3A_307 = tpu.vector_load %arg8[%get3A_306] {strides = array<i32>} : memref<512xf32, #tpu.memory_space<vmem>>, vector<16xf32>,
    %get3A_308 = arith.constant 464 : index
    %get3A_309 = tpu.vector_load %arg7[%get3A_308] {strides = array<i32>} : memref<512xf32, #tpu.memory_space<vmem>>, vector<16xf32>,
    %add3A_310 = arith.addf %get3A_309, %get3A_307 : vector<16xf32>
    %swap3A_311 = arith.constant 464 : index
    %swap3A_312 = tpu.vector_load %arg9[%swap3A_311] {strides = array<i32>} : memref<512xf32, #tpu.memory_space<vmem>>, vector<16xf32>,
    tpu.vector_store %arg9[%swap3A_311], %add3A_310 {strides = array<i32>} : memref<512xf32, #tpu.memory_space<vmem>>, vector<16xf32>,
    %get3A_313 = arith.constant 480 : index
    %get3A_314 = tpu.vector_load %arg8[%get3A_313] {strides = array<i32>} : memref<512xf32, #tpu.memory_space<vmem>>, vector<16xf32>,
    %get3A_315 = arith.constant 480 : index
    %get3A_316 = tpu.vector_load %arg7[%get3A_315] {strides = array<i32>} : memref<512xf32, #tpu.memory_space<vmem>>, vector<16xf32>,
    %add3A_317 = arith.addf %get3A_316, %get3A_314 : vector<16xf32>
    %swap3A_318 = arith.constant 480 : index
    %swap3A_319 = tpu.vector_load %arg9[%swap3A_318] {strides = array<i32>} : memref<512xf32, #tpu.memory_space<vmem>>, vector<16xf32>,
    tpu.vector_store %arg9[%swap3A_318], %add3A_317 {strides = array<i32>} : memref<512xf32, #tpu.memory_space<vmem>>, vector<16xf32>,
    %get3A_320 = arith.constant 496 : index
    %get3A_321 = tpu.vector_load %arg8[%get3A_320] {strides = array<i32>} : memref<512xf32, #tpu.memory_space<vmem>>, vector<16xf32>,
    %get3A_322 = arith.constant 496 : index
    %get3A_323 = tpu.vector_load %arg7[%get3A_322] {strides = array<i32>} : memref<512xf32, #tpu.memory_space<vmem>>, vector<16xf32>,
    %add3A_324 = arith.addf %get3A_323, %get3A_321 : vector<16xf32>
    %swap3A_325 = arith.constant 496 : index
    %swap3A_326 = tpu.vector_load %arg9[%swap3A_325] {strides = array<i32>} : memref<512xf32, #tpu.memory_space<vmem>>, vector<16xf32>,
    tpu.vector_store %arg9[%swap3A_325], %add3A_324 {strides = array<i32>} : memref<512xf32, #tpu.memory_space<vmem>>, vector<16xf32>,
    "tpu.region"() ({
      %run_scoped3A = tpu.sem_alloc : memref<!tpu.dma_semaphore, #tpu.memory_space<semaphore_mem>>
      %dma_start3A_327 = tpu.memref_slice %arg5[%mul3A_2] : memref<16384xf32, #tpu.memory_space<hbm>> -> memref<512xf32, #tpu.memory_space<hbm>>
      %dma_start3A_328 = tpu.memref_slice %arg5[%mul3A_2] : memref<16384xf32, #tpu.memory_space<hbm>> -> memref<512xf32, #tpu.memory_space<hbm>>
      tpu.enqueue_dma source(%arg9 : memref<512xf32, #tpu.memory_space<vmem>>) target(%dma_start3A_328 : memref<512xf32, #tpu.memory_space<hbm>>) target_semaphore(%run_scoped3A : memref<!tpu.dma_semaphore, #tpu.memory_space<semaphore_mem>>)
      %dma_wait3A_329 = tpu.memref_slice %arg5[%mul3A_2] : memref<16384xf32, #tpu.memory_space<hbm>> -> memref<512xf32, #tpu.memory_space<hbm>>
      %dma_wait3A_330 = tpu.memref_slice %arg5[%mul3A_2] : memref<16384xf32, #tpu.memory_space<hbm>> -> memref<512xf32, #tpu.memory_space<hbm>>
      tpu.wait_dma2 semaphore(%run_scoped3A : memref<!tpu.dma_semaphore, #tpu.memory_space<semaphore_mem>>) src(%arg9 : memref<512xf32, #tpu.memory_space<vmem>>) dst(%dma_wait3A_330 : memref<512xf32, #tpu.memory_space<hbm>>)
      tpu.yield
    }) : () -> ()
    return
  }
}

module attributes {stable_mosaic.version = 14 : i64} {
  func.func @_proj_body(%arg0: i32, %arg1: memref<1x32xf32, #tpu.memory_space<vmem>>, %arg2: memref<32x65536xf32, #tpu.memory_space<vmem>>, %arg3: memref<65536xf32, #tpu.memory_space<vmem>>) attributes {dimension_semantics = [#tpu.dimension_semantics<arbitrary>], iteration_bounds = array<i64: 2>, scalar_prefetch = 0 : i64, scratch_operands = 0 : i64, tpu.core_type = #tpu.core_type<tc>, window_params = [{pipeline_mode = #tpu.pipeline_mode<synchronous>, transform_indices = @transform_0, window_bounds = array<i64: 1, 32>}, {transform_indices = @transform_1, window_bounds = array<i64: 32, 65536>}, {transform_indices = @transform_2, window_bounds = array<i64: 65536>}]} {
    %get3A = arith.constant 0 : index
    %get3A_0 = arith.constant 0 : index
    %get3A_1 = vector.load %arg1[%get3A, %get3A_0] : memref<1x32xf32, #tpu.memory_space<vmem>>, vector<1x32xf32>
    %get3A_2 = arith.constant 0 : index
    %get3A_3 = arith.constant 0 : index
    %get3A_4 = vector.load %arg2[%get3A_2, %get3A_3] : memref<32x65536xf32, #tpu.memory_space<vmem>>, vector<32x65536xf32>
    %dot_general3A = arith.constant dense<0.000000e+00> : vector<1x65536xf32>
    %dot_general3A_5 = tpu.matmul %get3A_1, %get3A_4, %dot_general3A {dimension_numbers = #tpu.dot_dimension_numbers<[1], [0], [0], [1], [0, 0, 1, 1], [], []>, transpose_lhs_hint = false} : vector<1x32xf32>, vector<32x65536xf32>, vector<1x65536xf32> -> vector<1x65536xf32>
    %squeeze3A = vector.shape_cast %dot_general3A_5 : vector<1x65536xf32> to vector<65536xf32>
    %swap3A = arith.constant 0 : index
    %swap3A_6 = vector.load %arg3[%swap3A] : memref<65536xf32, #tpu.memory_space<vmem>>, vector<65536xf32>
    tpu.vector_store %arg3[%swap3A], %squeeze3A {strides = array<i32>} : memref<65536xf32, #tpu.memory_space<vmem>>, vector<65536xf32>,
    return
  }
  func.func @transform_0(%arg0: i32) -> (i32, i32) {
    %c0_i32 = arith.constant 0 : i32
    %c0_i32_0 = arith.constant 0 : i32
    %c0_i32_1 = arith.constant 0 : i32
    return %c0_i32, %c0_i32_0 : i32, i32
  }
  func.func @transform_1(%arg0: i32) -> (i32, i32) {
    %c0_i32 = arith.constant 0 : i32
    %c0_i32_0 = arith.constant 0 : i32
    return %c0_i32, %arg0 : i32, i32
  }
  func.func @transform_2(%arg0: i32) -> i32 {
    %c0_i32 = arith.constant 0 : i32
    return %arg0 : i32
  }
}

module attributes {stable_mosaic.version = 14 : i64} {
  func.func @_proj_body(%arg0: i32, %arg1: memref<1x32xf32, #tpu.memory_space<vmem>>, %arg2: memref<32x65536xf32, #tpu.memory_space<vmem>>, %arg3: memref<65536xf32, #tpu.memory_space<vmem>>) attributes {dimension_semantics = [#tpu.dimension_semantics<arbitrary>], iteration_bounds = array<i64: 16>, scalar_prefetch = 0 : i64, scratch_operands = 0 : i64, tpu.core_type = #tpu.core_type<tc>, window_params = [{pipeline_mode = #tpu.pipeline_mode<synchronous>, transform_indices = @transform_0, window_bounds = array<i64: 1, 32>}, {transform_indices = @transform_1, window_bounds = array<i64: 32, 65536>}, {transform_indices = @transform_2, window_bounds = array<i64: 65536>}]} {
    %get3A = arith.constant 0 : index
    %get3A_0 = arith.constant 0 : index
    %get3A_1 = vector.load %arg1[%get3A, %get3A_0] : memref<1x32xf32, #tpu.memory_space<vmem>>, vector<1x32xf32>
    %get3A_2 = arith.constant 0 : index
    %get3A_3 = arith.constant 0 : index
    %get3A_4 = vector.load %arg2[%get3A_2, %get3A_3] : memref<32x65536xf32, #tpu.memory_space<vmem>>, vector<32x65536xf32>
    %dot_general3A = arith.constant dense<0.000000e+00> : vector<1x65536xf32>
    %dot_general3A_5 = tpu.matmul %get3A_1, %get3A_4, %dot_general3A {dimension_numbers = #tpu.dot_dimension_numbers<[1], [0], [0], [1], [0, 0, 1, 1], [], []>, transpose_lhs_hint = false} : vector<1x32xf32>, vector<32x65536xf32>, vector<1x65536xf32> -> vector<1x65536xf32>
    %squeeze3A = vector.shape_cast %dot_general3A_5 : vector<1x65536xf32> to vector<65536xf32>
    %swap3A = arith.constant 0 : index
    %swap3A_6 = vector.load %arg3[%swap3A] : memref<65536xf32, #tpu.memory_space<vmem>>, vector<65536xf32>
    tpu.vector_store %arg3[%swap3A], %squeeze3A {strides = array<i32>} : memref<65536xf32, #tpu.memory_space<vmem>>, vector<65536xf32>,
    return
  }
  func.func @transform_0(%arg0: i32) -> (i32, i32) {
    %c0_i32 = arith.constant 0 : i32
    %c0_i32_0 = arith.constant 0 : i32
    %c0_i32_1 = arith.constant 0 : i32
    return %c0_i32, %c0_i32_0 : i32, i32
  }
  func.func @transform_1(%arg0: i32) -> (i32, i32) {
    %c0_i32 = arith.constant 0 : i32
    %c0_i32_0 = arith.constant 0 : i32
    return %c0_i32, %arg0 : i32, i32
  }
  func.func @transform_2(%arg0: i32) -> i32 {
    %c0_i32 = arith.constant 0 : i32
    return %arg0 : i32
  }
}

</mosaic_0001>

<sc_bundles>
// kernel: _run.6.cloned.1.call-start
scs
__scs_entry_jumppad:
0x0: {  	(pc) =	sbr.rel $0x88, $3  }
0x1: {  	(tag) =	ssettag $0x0;
	lr =	simm.s32 $0x1  }
0x2: {  	[smem:$0x3F9B] =	sst lr;
	_ =	strace $0xD0000000  }
0x3: {  	_ = 	snop  }
0x4: {  	_ = 	snop  }
0x5: {  	_ = 	snop  }
0x6: {  	_ = 	snop  }
0x7: {  	_ = 	snop  }
__scs_overlays_trampoline_lowered:
0x8: {  	[smem:$0x3FAA] =	sst s0  }
0x9: {  	[smem:$0x3FAB] =	sst s1  }
0xa: {  	[smem:$0x3FAC] =	sst s2  }
0xb: {  	[smem:$0x3FAD] =	sst s3  }
0xc: {  	[smem:$0x3FAE] =	sst s4  }
0xd: {  	[smem:$0x3FAF] =	sst s5  }
0xe: {  	[smem:$0x3FB0] =	sst s6  }
0xf: {  	[smem:$0x3FB1] =	sst s7  }
0x10: {  	[smem:$0x3FB2] =	sst s8  }
0x11: {  	[smem:$0x3FB3] =	sst s9;
	s0 =	simm.s32 @!p0 $0x0  }
0x12: {  	s1 =	sld [smem:$0x3F99];
	s0 =	simm.s32 @p0 $0x1  }
0x13: {  	[smem:$0x3FB4] =	sst s0;
	s0 =	simm.s32 @!p1 $0x0  }
0x14: {  	s2 =	sld [smem:$0x3F98];
	s0 =	simm.s32 @p1 $0x1  }
0x15: {  	[smem:$0x3FB5] =	sst s0;
	s0 =	simm.s32 @!p2 $0x0  }
0x16: {  	s3 =	sld [smem:$0x3FDB];
	s0 =	simm.s32 @p2 $0x1  }
0x17: {  	s4 =	simm.s32 $0x1BF5;
	[smem:$0x3FB7] =	sst s0  }
0x18: {  	s0 =	sld [smem:$0x3F9A];
	_ =	swait.ge [sflag:s4], $0x0  }
0x19: {  	s7 =	sld [smem:$0x3F9B]  }
0x1a: {  	s8 =	sadd.s32 $0xFFFFE003, lr  }
0x1b: {  	s9 =	sadd.s32 $0xFFFFFEF7, lr;
	s5 =	simm.s32 $0xFFFFFFFF;
	p2 =	slt.u32 s8, $0xFFFFF086  }
0x1c: {  	p1 =	slt.u32 s9, $0xF7A;
	s5 =	simm.s32 @!p2 $0x0  }
0x1d: {  	s5 =	simm.s32 @p1 $0x1;
	p0 =	seq.s32 s7, s2  }
0x1e: {  	s7 =	smul.u32 @!p0 $0xF7A, s2;
	p2 =	seq.s32 @!p0 s5, $0x0  }
0x1f: {  	s9 =	smul.u32 $0xF7A, s1;
	s8 =	simm.s32 @!p0 $0x1BF5;
	p2 =	por !p2, p0  }
0x20: {  	[sflag:s8] =	ssyncset.s32 @!p0 $0xFFFFF086;
	s6 =	sadd.s32 @!p0 s3, s7;
	s7 =	simm.s32 @!p0 $0x108  }
0x21: {  	s3 =	sadd.s32 s3, s9;
	s6 =	sadd.s32 @!p0 $0x88, s6;
	s7 =	simm.s32 @p2 $0x1082  }
0x22: {  	[simem:s7], [sflag:s8] =	dma.local @!p0 [hbm:s6], $0xF7A  }
0x23: {  	s9 =	sor.u32 $0xD0000000, s2;
	s6 =	simm.s32 $0x108;
	_ =	swait.ge @!p0 [sflag:s8], $0x0  }
0x24: {  	s3 =	sadd.s32 $0x88, s3;
	s6 =	simm.s32 @!p1 $0x1082;
	[sflag:s4] =	ssyncset.s32 $0xFFFFF086  }
0x25: {  	[simem:s6], [sflag:s4] =	dma.local [hbm:s3], $0xF7A  }
0x26: {  	[smem:$0x3F9B] =	sst s1;
	(tag) =	ssettag s2;
	_ =	strace s9  }
0x27: {  	s1 =	sld [smem:$0x3FAB]  }
0x28: {  	s2 =	sld [smem:$0x3FAC]  }
0x29: {  	s4 =	sld [smem:$0x3FAE]  }
0x2a: {  	p0 =	seq.s32 s5, $0x0;
	s5 =	sld [smem:$0x3FAF]  }
0x2b: {  	s6 =	sld [smem:$0x3FB0]  }
0x2c: {  	s7 =	sld [smem:$0x3FB1]  }
0x2d: {  	s3 =	simm.s32 $0x108;
	s8 =	sld [smem:$0x3FB2]  }
0x2e: {  	s3 =	simm.s32 @!p0 $0x1082;
	s9 =	sld [smem:$0x3FB3]  }
0x2f: {  	lr =	sadd.s32 s0, s3;
	s0 =	sld [smem:$0x3FAA]  }
0x30: {  	s3 =	sld [smem:$0x3FAD]  }
0x31: {  	[smem:$0x3FB6] =	sst s10  }
0x32: {  	s10 =	sld [smem:$0x3FB4];
	_ =	sdelay $0x3  }
0x33: {  	p0 =	seq.s32 s10, $0x1;
	s10 =	sld [smem:$0x3FB6];
	_ =	sdelay $0x3  }
0x34: {  	[smem:$0x3FB6] =	sst s10  }
0x35: {  	s10 =	sld [smem:$0x3FB5];
	_ =	sdelay $0x3  }
0x36: {  	p1 =	seq.s32 s10, $0x1;
	s10 =	sld [smem:$0x3FB6];
	_ =	sdelay $0x3  }
0x37: {  	[smem:$0x3FB6] =	sst s10  }
0x38: {  	s10 =	sld [smem:$0x3FB7]  }
0x39: {  	_ = 	snop;
	(pc) =	sbr.ind lr, $3  }
0x3a: {  	_ = 	snop  }
0x3b: {  	_ = 	snop  }
0x3c: {  	p2 =	seq.s32 s10, $0x1;
	s10 =	sld [smem:$0x3FB6]  }
0x3d: {  	_ =	shalt  }
0x3e: {  	_ =	shalt  }
0x3f: {  	_ =	shalt  }
0x40: {  	_ =	shalt  }
0x41: {  	_ =	shalt  }
0x42: {  	_ =	shalt  }
0x43: {  	_ =	shalt  }
0x44: {  	_ =	shalt  }
0x45: {  	_ =	shalt  }
0x46: {  	_ =	shalt  }
0x47: {  	_ =	shalt  }
0x48: {  	_ =	shalt  }
0x49: {  	_ =	shalt  }
0x4a: {  	_ =	shalt  }
0x4b: {  	_ =	shalt  }
0x4c: {  	_ =	shalt  }
0x4d: {  	_ =	shalt  }
0x4e: {  	_ =	shalt  }
0x4f: {  	_ =	shalt  }
0x50: {  	_ =	shalt  }
0x51: {  	_ =	shalt  }
0x52: {  	_ =	shalt  }
0x53: {  	_ =	shalt  }
0x54: {  	_ =	shalt  }
0x55: {  	_ =	shalt  }
0x56: {  	_ =	shalt  }
0x57: {  	_ =	shalt  }
0x58: {  	_ =	shalt  }
0x59: {  	_ =	shalt  }
0x5a: {  	_ =	shalt  }
0x5b: {  	_ =	shalt  }
0x5c: {  	_ =	shalt  }
0x5d: {  	_ =	shalt  }
0x5e: {  	_ =	shalt  }
0x5f: {  	_ =	shalt  }
0x60: {  	_ =	shalt  }
0x61: {  	_ =	shalt  }
0x62: {  	_ =	shalt  }
0x63: {  	_ =	shalt  }
0x64: {  	_ =	shalt  }
0x65: {  	_ =	shalt  }
0x66: {  	_ =	shalt  }
0x67: {  	_ =	shalt  }
0x68: {  	_ =	shalt  }
0x69: {  	_ =	shalt  }
0x6a: {  	_ =	shalt  }
0x6b: {  	_ =	shalt  }
0x6c: {  	_ =	shalt  }
0x6d: {  	_ =	shalt  }
0x6e: {  	_ =	shalt  }
0x6f: {  	_ =	shalt  }
0x70: {  	_ =	shalt  }
0x71: {  	_ =	shalt  }
0x72: {  	_ =	shalt  }
0x73: {  	_ =	shalt  }
0x74: {  	_ =	shalt  }
0x75: {  	_ =	shalt  }
0x76: {  	_ =	shalt  }
0x77: {  	_ =	shalt  }
0x78: {  	_ =	shalt  }
0x79: {  	_ =	shalt  }
0x7a: {  	_ =	shalt  }
0x7b: {  	_ =	shalt  }
0x7c: {  	_ =	shalt  }
0x7d: {  	_ =	shalt  }
0x7e: {  	_ =	shalt  }
0x7f: {  	_ =	shalt  }
0x80: {  	_ =	shalt  }
0x81: {  	_ =	shalt  }
0x82: {  	_ =	shalt  }
0x83: {  	_ =	shalt  }
0x84: {  	_ =	shalt  }
0x85: {  	_ =	shalt  }
0x86: {  	_ =	shalt  }
0x87: {  	_ =	shalt  }
.Lfunc_end0:
.L_simem_size_0:
called_computation_lowered:
.L_overlay_start_0:
0x88: {  	s2 =	sld [smem:$0x3FD9]  }
0x89: {  	s3 =	sld [smem:$0x3FFE];
	_ =	sdelay $0x1  }
0x8a: {  	s1 =	srdreg.scid  }
0x8b: {  	s0 =	sand.u32 $0x1, s1  }
0x8c: {  	s17 =	sshll.u32 s0, $0xA;
	s2 =	sadd.s32 s3, s2  }
0x8d: {  	s2 =	sadd.s32 s2, s17  }
0x8e: {  	[smem:$0x3FC2] =	sst s2  }
0x8f: {  	_ = 	snop  }
0x90: {  	s2 =	sld [smem:$0x3FC8];
	(tm) =	ssettm $0x1  }
0x91: {  	s18 =	sld [smem:$0x3FFB];
	_ =	sdelay $0x3  }
0x92: {  	_ =	strace s18  }
0x93: {  	s3 =	sld [smem:$0x3FFC];
	_ =	sdelay $0x3  }
0x94: {  	_ =	strace s3  }
0x95: {  	s3 =	sld [smem:$0x3FFD];
	_ =	sdelay $0x3  }
0x96: {  	_ =	strace s3  }
0x97: {  	_ =	strace $0x8FFFFFFF  }
0x98: {  	s19 =	sld [smem:$0x3FDB];
	_ =	sdelay $0x1  }
0x99: {  	s4 =	simm.s32 $_scs_section_size  }
0x9a: {  	s5 =	simm.s32 $_size__tile_overlayer_lowered;
	s6 =	simm.s32 $_tile_overlayer_lowered  }
0x9b: {  	s22 =	simm.s32 $0x1BFF;
	s21 =	sshll.u32 s6, $0x1;
	s3 =	sadd.s32 s4, s19  }
0x9c: {  	s7 =	simm.s32 $0x0;
	s20 =	sshll.u32 s5, $0x1;
	s5 =	sadd.s32 s21, s3  }
0x9d: {  	[timem:s7], [sflag:s22] =	dma.local [hbm:s5], s20  }
0x9e: {  	_ =	swait.ge [sflag:s22], s20  }
0x9f: {  	s4 =	ssub.s32 $0x0, s20;
	[sflag:s22] =	ssyncset.done $0x0  }
0xa0: {  	[sflag:s22] =	ssyncadd.s32 s4;
	_ =	sdelay $0x1  }
0xa1: {  	s23 =	simm.s32 $0x1B8B  }
0xa2: {  	_ =	swait.ge [sflag:s23], $0x1  }
0xa3: {  	[sflag:s23] =	ssyncset.done $0x0  }
0xa4: {  	s25 =	simm.s32 $0x1B8E;
	s24 =	sld [smem:$0x3FFE];
	[sflag:s23] =	ssyncadd.s32 $0xFFFFFFFF  }
0xa5: {  	s26 =	simm.s32 $execute0_lowered;
	[smem:$0x3FD2] =	sst s25  }
0xa6: {  	s5 =	sshll.u32 s26, $0x1;
	_ =	strace $0x80000046;
	[dreg:$0x1] =	wrdreg $0xFFFFFFFF  }
0xa7: {  	s28 =	simm.s32 $_size_execute0_lowered;
	s3 =	sadd.s32 s3, s5;
	[dreg:$0x0] =	wrdreg $0x0  }
0xa8: {  	s5 =	sshll.u32 s28, $0x1;
	[dreg:$0x2] =	wrdreg s3  }
0xa9: {  	[dreg:$0x3] =	wrdreg s5  }
0xaa: {  	[dreg:$0x4] =	wrdreg $0xC0  }
0xab: {  	_ =	task [dreg:s7], $0x5FFFF  }
0xac: {  	[dreg:$0x1] =	wrdreg $0xFFFFFFFF  }
0xad: {  	[dreg:$0x0] =	wrdreg $0x60  }
0xae: {  	[dreg:$0x2] =	wrdreg s2  }
0xaf: {  	[dreg:$0x3] =	wrdreg s24  }
0xb0: {  	[dreg:$0x4] =	wrdreg $0x9  }
0xb1: {  	_ =	task.clear_ibuf [dreg:s7], $0x5FFFF;
	_ =	strace $0x90000046  }
0xb2: {  	s29 =	simm.s32 $0x9;
	_ =	strace $0x80000048  }
0xb3: {  	_ =	swait.ge [sflag:s29], $0x1  }
0xb4: {  	[sflag:s29] =	ssyncadd.s32 $0xFFFFFFFF  }
0xb5: {  	_ =	strace $0x90000048  }
0xb6: {  	_ =	sfence  }
0xb7: {  	s30 =	sld [smem:$0x0];
	_ =	sdelay $0x2  }
0xb8: {  	s31 =	sshll.u32 s1, $0xD;
	s1 =	sshrl.u32 s1, $0x2  }
0xb9: {  	s3 =	sand.u32 $0x4000, s31;
	s1 =	sadd.s32 s1, s30  }
0xba: {  	s0 =	sor.u32 s3, s0;
	s1 =	sshll.u32 s1, $0x11  }
0xbb: {  	s0 =	sor.u32 s1, s0  }
0xbc: {  	s0 =	sadd.s32 $0x8F2B, s0  }
0xbd: {  	[sflag:s0] =	ssyncadd.remote.s32 $0x1  }
0xbe: {  	_ =	sfence.sel $0xFFFF  }
0xbf: {  	[dreg:$0x0] =	wrdreg $0xFFFFFFFF;
	(pc) =	sbr.abs _section_cstart, $3  }
0xc0: {  	[dreg:$0x1] =	wrdreg $0xFFFFFFFF  }
0xc1: {  	_ =	task.clear_ibuf [dreg:s7], $0x2FFFF;
	_ =	strace $0x9FFFFFFF  }
0xc2: {  	(tm) =	ssettm $0x7FFFFFFF  }
0xc3: {  	_ =	shalt  }
tec
execute0_lowered:
.L_overlay_start_1:
0x0: {  	(tag) =	ssettag $0x1  }
0x1: {  	s5 =	rddreg [dreg:$0x0]  }
0x2: {  	s6 =	rddreg [dreg:$0x1]  }
0x3: {  	s0 =	rddreg [dreg:$0x2]  }
0x4: {  	s2 =	simm.s32 $0x0;
	s3 =	srdreg.scid;
	s1 =	stileid.u32  }
0x5: {  	s10 =	simm.s32 $0x40;
	s11 =	simm.s32 $0x200;
	s12 =	simm.s32 $0x240  }
0x6: {  	s13 =	simm.s32 $0x80;
	s14 =	simm.s32 $0x280;
	s15 =	simm.s32 $0xC0  }
0x7: {  	s16 =	simm.s32 $0x2C0;
	s17 =	simm.s32 $0x100;
	s18 =	simm.s32 $0x300  }
0x8: {  	s19 =	simm.s32 $0x140;
	s20 =	simm.s32 $0x340;
	s21 =	simm.s32 $0x180  }
0x9: {  	s22 =	simm.s32 $0x380;
	s23 =	simm.s32 $0x1C0;
	s24 =	simm.s32 $0x3C0  }
0xa: {  	s25 =	simm.s32 $0x2;
	s26 =	simm.s32 $0x3;
	s28 =	simm.s32 $0x410  }
0xb: {  	s29 =	simm.s32 $0x4;
	[smem:$0x7FF] =	sst s2;
	s3 =	sand.u32 $0x1, s3  }
0xc: {  	s4 =	sshll.u32 s1, $0x7;
	_ =	strace $0x80000047;
	s7 =	sshll.u32 s3, $0x6  }
0xd: {  	s8 =	ssub.s32 $0x2, s3;
	s3 =	sadd.s32 $0x1000, s6;
	s7 =	sor.u32 s7, s4  }
0xe: {  	s9 =	sshrl.u32 s8, $0x1;
	s4 =	sadd.s32 $0x4200, s6;
	s6 =	sadd.s32 s7, s6  }
0xf: {  	s8 =	ssub.s32 s8, s9;
	s5 =	sadd.s32 s5, s7;
	s9 =	simm.s32 $0x1  }
0x10: {  	s6 =	sadd.s32 $0x4400, s6;
	s7 =	smax.u32 s8, $0x1;
	s8 =	simm.s32 $0x400  }
.LBB2_1:
0x11: {  	[tilespmem:s2], [sflag:$0x1] =	stream.linear.gather [hbm4b:s5+s2], $0x200, $0x38;
	[tilespmem:$0x610] =	vst v63  }
0x12: {  	_ = 	snop  }
0x13: {  	[tilespmem:s8], [sflag:$0x2] =	stream.linear.gather [hbm4b:s4+s2], $0x10, $0x38;
	[tilespmem:$0x610] =	vst v63  }
0x14: {  	_ =	swait.ge [sflag:s9], $0x200  }
0x15: {  	[sflag:s9] =	ssyncset.done $0x0  }
0x16: {  	[sflag:s9] =	ssyncadd.s32 $0xFFFFFE00  }
0x17: {  	[tilespmem:s11], [sflag:$0x3] =	stream.indirect.gather [hbm4b:s3+s10], $0x1, s2, s10, $0xb8;
	[tilespmem:$0x610] =	vst v63  }
0x18: {  	_ = 	snop  }
0x19: {  	[tilespmem:s12], [sflag:$0x3] =	stream.indirect.gather [hbm4b:s3+s10], $0x1, s10, s10, $0xb8;
	[tilespmem:$0x610] =	vst v63  }
0x1a: {  	_ = 	snop  }
0x1b: {  	[tilespmem:s14], [sflag:$0x3] =	stream.indirect.gather [hbm4b:s3+s10], $0x1, s13, s10, $0xb8;
	[tilespmem:$0x610] =	vst v63  }
0x1c: {  	_ = 	snop  }
0x1d: {  	[tilespmem:s16], [sflag:$0x3] =	stream.indirect.gather [hbm4b:s3+s10], $0x1, s15, s10, $0xb8;
	[tilespmem:$0x610] =	vst v63  }
0x1e: {  	_ = 	snop  }
0x1f: {  	[tilespmem:s18], [sflag:$0x3] =	stream.indirect.gather [hbm4b:s3+s10], $0x1, s17, s10, $0xb8;
	[tilespmem:$0x610] =	vst v63  }
0x20: {  	_ = 	snop  }
0x21: {  	[tilespmem:s20], [sflag:$0x3] =	stream.indirect.gather [hbm4b:s3+s10], $0x1, s19, s10, $0xb8;
	[tilespmem:$0x610] =	vst v63  }
0x22: {  	_ = 	snop  }
0x23: {  	[tilespmem:s22], [sflag:$0x3] =	stream.indirect.gather [hbm4b:s3+s10], $0x1, s21, s10, $0xb8;
	[tilespmem:$0x610] =	vst v63  }
0x24: {  	_ = 	snop  }
0x25: {  	[tilespmem:s24], [sflag:$0x3] =	stream.indirect.gather [hbm4b:s3+s10], $0x1, s23, s10, $0xb8;
	[tilespmem:$0x610] =	vst v63  }
0x26: {  	_ =	swait.ge [sflag:s25], $0x10  }
0x27: {  	[sflag:s25] =	ssyncset.done $0x0  }
0x28: {  	[sflag:s25] =	ssyncadd.s32 $0xFFFFFFF0  }
0x29: {  	_ =	swait.ge [sflag:s26], $0x40  }
0x2a: {  	[sflag:s26] =	ssyncset.done $0x0  }
0x2b: {  	[sflag:s26] =	ssyncadd.s32 $0xFFFFFFC0  }
0x2c: {  	_ =	swait.ge [sflag:s26], $0x40  }
0x2d: {  	[sflag:s26] =	ssyncset.done $0x0  }
0x2e: {  	[sflag:s26] =	ssyncadd.s32 $0xFFFFFFC0  }
0x2f: {  	_ =	swait.ge [sflag:s26], $0x40  }
0x30: {  	[sflag:s26] =	ssyncset.done $0x0  }
0x31: {  	[sflag:s26] =	ssyncadd.s32 $0xFFFFFFC0  }
0x32: {  	_ =	swait.ge [sflag:s26], $0x40  }
0x33: {  	[sflag:s26] =	ssyncset.done $0x0  }
0x34: {  	[sflag:s26] =	ssyncadd.s32 $0xFFFFFFC0  }
0x35: {  	_ =	swait.ge [sflag:s26], $0x40  }
0x36: {  	[sflag:s26] =	ssyncset.done $0x0  }
0x37: {  	[sflag:s26] =	ssyncadd.s32 $0xFFFFFFC0  }
0x38: {  	_ =	swait.ge [sflag:s26], $0x40  }
0x39: {  	[sflag:s26] =	ssyncset.done $0x0  }
0x3a: {  	[sflag:s26] =	ssyncadd.s32 $0xFFFFFFC0  }
0x3b: {  	_ =	swait.ge [sflag:s26], $0x40  }
0x3c: {  	[sflag:s26] =	ssyncset.done $0x0  }
0x3d: {  	[sflag:s26] =	ssyncadd.s32 $0xFFFFFFC0  }
0x3e: {  	_ =	swait.ge [sflag:s26], $0x40  }
0x3f: {  	[sflag:s26] =	ssyncset.done $0x0  }
0x40: {  	[sflag:s26] =	ssyncadd.s32 $0xFFFFFFC0  }
0x41: {  	v0 =	vld [tilespmem:$0x400]  }
0x42: {  	v1 =	vld [tilespmem:$0x200]  }
0x43: {  	v2 =	vld [tilespmem:$0x400]  }
0x44: {  	v3 =	vld [tilespmem:$0x210]  }
0x45: {  	v4 =	vld [tilespmem:$0x400]  }
0x46: {  	v5 =	vld [tilespmem:$0x220]  }
0x47: {  	v6 =	vld [tilespmem:$0x400]  }
0x48: {  	v7 =	vld [tilespmem:$0x230]  }
0x49: {  	v8 =	vld [tilespmem:$0x400]  }
0x4a: {  	v9 =	vld [tilespmem:$0x240]  }
0x4b: {  	v10 =	vld [tilespmem:$0x400]  }
0x4c: {  	v11 =	vld [tilespmem:$0x250]  }
0x4d: {  	v12 =	vld [tilespmem:$0x400]  }
0x4e: {  	v13 =	vld [tilespmem:$0x260]  }
0x4f: {  	v14 =	vld [tilespmem:$0x400]  }
0x50: {  	v15 =	vld [tilespmem:$0x270]  }
0x51: {  	v16 =	vld [tilespmem:$0x400]  }
0x52: {  	v17 =	vld [tilespmem:$0x280]  }
0x53: {  	v18 =	vld [tilespmem:$0x400]  }
0x54: {  	v19 =	vld [tilespmem:$0x290]  }
0x55: {  	v20 =	vld [tilespmem:$0x400]  }
0x56: {  	v21 =	vld [tilespmem:$0x2A0]  }
0x57: {  	v22 =	vld [tilespmem:$0x400]  }
0x58: {  	v23 =	vld [tilespmem:$0x2B0]  }
0x59: {  	v24 =	vld [tilespmem:$0x400]  }
0x5a: {  	v25 =	vld [tilespmem:$0x2C0]  }
0x5b: {  	v26 =	vld [tilespmem:$0x400]  }
0x5c: {  	v27 =	vld [tilespmem:$0x2D0]  }
0x5d: {  	v28 =	vld [tilespmem:$0x400]  }
0x5e: {  	v29 =	vld [tilespmem:$0x2E0]  }
0x5f: {  	v30 =	vld [tilespmem:$0x400]  }
0x60: {  	v31 =	vld [tilespmem:$0x2F0]  }
0x61: {  	v32 =	vld [tilespmem:$0x400]  }
0x62: {  	v33 =	vld [tilespmem:$0x300]  }
0x63: {  	v34 =	vld [tilespmem:$0x400]  }
0x64: {  	v35 =	vld [tilespmem:$0x310]  }
0x65: {  	v36 =	vld [tilespmem:$0x400]  }
0x66: {  	v46 =	vld [tilespmem:$0x320];
	v0 =	vadd.f32 v1, v0  }
0x67: {  	v47 =	vld [tilespmem:$0x400];
	v2 =	vadd.f32 v3, v2  }
0x68: {  	v49 =	vld [tilespmem:$0x330];
	v48 =	vadd.f32 v5, v4;
	[tilespmem:$0x410] =	vst v0  }
0x69: {  	v51 =	vld [tilespmem:$0x400];
	v50 =	vadd.f32 v7, v6;
	[tilespmem:$0x420] =	vst v2  }
0x6a: {  	v53 =	vld [tilespmem:$0x340];
	v52 =	vadd.f32 v9, v8;
	[tilespmem:$0x430] =	vst v48  }
0x6b: {  	v55 =	vld [tilespmem:$0x400];
	v54 =	vadd.f32 v11, v10;
	[tilespmem:$0x440] =	vst v50  }
0x6c: {  	v57 =	vld [tilespmem:$0x350];
	v56 =	vadd.f32 v13, v12;
	[tilespmem:$0x450] =	vst v52  }
0x6d: {  	v59 =	vld [tilespmem:$0x400];
	v58 =	vadd.f32 v15, v14;
	[tilespmem:$0x460] =	vst v54  }
0x6e: {  	v61 =	vld [tilespmem:$0x360];
	v60 =	vadd.f32 v17, v16;
	[tilespmem:$0x470] =	vst v56  }
0x6f: {  	v63 =	vld [tilespmem:$0x400];
	v62 =	vadd.f32 v19, v18;
	[tilespmem:$0x480] =	vst v58  }
0x70: {  	v37 =	vld [tilespmem:$0x400];
	v20 =	vadd.f32 v21, v20;
	[tilespmem:$0x490] =	vst v60  }
0x71: {  	v39 =	vld [tilespmem:$0x3A0];
	v22 =	vadd.f32 v23, v22;
	[tilespmem:$0x4A0] =	vst v62  }
0x72: {  	v41 =	vld [tilespmem:$0x400];
	v24 =	vadd.f32 v25, v24;
	[tilespmem:$0x4B0] =	vst v20  }
0x73: {  	v43 =	vld [tilespmem:$0x3B0];
	v26 =	vadd.f32 v27, v26;
	[tilespmem:$0x4C0] =	vst v22  }
0x74: {  	v45 =	vld [tilespmem:$0x400];
	v28 =	vadd.f32 v29, v28;
	[tilespmem:$0x4D0] =	vst v24  }
0x75: {  	v21 =	vld [tilespmem:$0x370];
	v31 =	vadd.f32 v31, v30;
	[tilespmem:$0x4E0] =	vst v26  }
0x76: {  	v23 =	vld [tilespmem:$0x400];
	v38 =	vadd.f32 v33, v32;
	[tilespmem:$0x4F0] =	vst v28  }
0x77: {  	v25 =	vld [tilespmem:$0x380];
	v40 =	vadd.f32 v35, v34;
	[tilespmem:$0x500] =	vst v31  }
0x78: {  	v27 =	vld [tilespmem:$0x400];
	v42 =	vadd.f32 v46, v36;
	[tilespmem:$0x510] =	vst v38  }
0x79: {  	v29 =	vld [tilespmem:$0x390];
	v44 =	vadd.f32 v49, v47;
	[tilespmem:$0x520] =	vst v40  }
0x7a: {  	v46 =	vadd.f32 v53, v51;
	v47 =	vld [tilespmem:$0x3C0];
	[tilespmem:$0x530] =	vst v42  }
0x7b: {  	v49 =	vld [tilespmem:$0x400];
	v1 =	vadd.f32 v43, v41;
	[tilespmem:$0x540] =	vst v44  }
0x7c: {  	v51 =	vld [tilespmem:$0x3D0];
	v48 =	vadd.f32 v57, v55;
	[tilespmem:$0x550] =	vst v46  }
0x7d: {  	v53 =	vld [tilespmem:$0x400];
	v50 =	vadd.f32 v61, v59;
	[tilespmem:$0x5C0] =	vst v1  }
0x7e: {  	v55 =	vld [tilespmem:$0x3E0];
	v58 =	vadd.f32 v39, v37;
	[tilespmem:$0x560] =	vst v48  }
0x7f: {  	v57 =	vld [tilespmem:$0x400];
	[tilespmem:$0x570] =	vst v50;
	v52 =	vadd.f32 v21, v63  }
0x80: {  	v59 =	vld [tilespmem:$0x3F0];
	[tilespmem:$0x5B0] =	vst v58;
	v54 =	vadd.f32 v25, v23  }
0x81: {  	v56 =	vadd.f32 v29, v27;
	[tilespmem:$0x580] =	vst v52  }
0x82: {  	v60 =	vadd.f32 v47, v45;
	[tilespmem:$0x590] =	vst v54  }
0x83: {  	v61 =	vadd.f32 v51, v49;
	[tilespmem:$0x5A0] =	vst v56  }
0x84: {  	[tilespmem:$0x5D0] =	vst v60;
	v62 =	vadd.f32 v55, v53  }
0x85: {  	[tilespmem:$0x5E0] =	vst v61;
	v63 =	vadd.f32 v59, v57  }
0x86: {  	p0 =	sne.s32 s7, $0x1;
	[tilespmem:$0x5F0] =	vst v62  }
.Ltmp0:
0x87: {  	[tilespmem:$0x600] =	vst v63;
	(pc) =	sbr.rel @p0 .LBB2_1-.Ltmp0, $4  }
0x88: {  	[hbm4b:s6+s2] =	stream.linear.scatter [tilespmem:s28], [sflag:$0x4], $0x200, $0x38;
	[tilespmem:$0x610] =	vst v63  }
0x89: {  	_ =	swait.ge [sflag:s29], $0x200  }
0x8a: {  	[sflag:s29] =	ssyncset.done $0x0  }
0x8b: {  	s7 =	sadd.s32 $0xFFFFFFFF, s7;
	[sflag:s29] =	ssyncadd.s32 $0xFFFFFE00  }
0x8c: {  	_ =	sfence.sel $0x180000  }
0x8d: {  	[bflag:$0x0] =	sbarrier.arrive $0xFFFF  }
0x8e: {  	p0 =	sne.s32 s1, $0x0;
	_ =	strace $0x90000047  }
0x8f: {  	s0 =	sadd.s32 @!p0 $0x100000, s0;
	[bflag:$0x2] =	sbarrier.arrive $0xFFFF  }
0x90: {  	[sflag:s0] =	ssyncadd.tile.s32 @!p0 $0x1;
	_ =	shalt  }
.Lfunc_end2:
_tile_overlayer_lowered:
.L_overlay_start_2:
0x91: {  	(tag) =	ssettag $0x2  }
0x92: {  	s0 =	rddreg [dreg:$0x0];
	s2 =	stileid.u32  }
0x93: {  	s1 =	rddreg [dreg:$0x1];
	p0 =	sne.s32 s2, $0x0  }
0x94: {  	s3 =	rddreg [dreg:$0x2];
	[bflag:$0x3] =	sbarrier.arrive $0xFFFF;
	s2 =	simm.s32 @!p0 $0x1C04  }
0x95: {  	[timem:s3], [sflag:s2] =	dma.local @!p0 [hbm:s0], s1  }
0x96: {  	s0 =	simm.s32 @!p0 $0x4  }
0x97: {  	_ =	swait.ge @!p0 [sflag:s0], s1  }
0x98: {  	s1 =	ssub.s32 @!p0 $0x0, s1;
	[sflag:s0] =	ssyncset.done @!p0 $0x0  }
0x99: {  	[sflag:s0] =	ssyncadd.s32 @!p0 s1  }
0x9a: {  	[bflag:$0x3] =	sbarrier.arrive $0xFFFF  }
0x9b: {  	_ =	shalt  }

// kernel: _run.9.cloned.1.call-start
scs
__scs_entry_jumppad:
0x0: {  	(pc) =	sbr.rel $0x88, $3  }
0x1: {  	(tag) =	ssettag $0x0;
	lr =	simm.s32 $0x1  }
0x2: {  	[smem:$0x3F9B] =	sst lr;
	_ =	strace $0xD0000000  }
0x3: {  	_ = 	snop  }
0x4: {  	_ = 	snop  }
0x5: {  	_ = 	snop  }
0x6: {  	_ = 	snop  }
0x7: {  	_ = 	snop  }
__scs_overlays_trampoline_lowered:
0x8: {  	[smem:$0x3FAA] =	sst s0  }
0x9: {  	[smem:$0x3FAB] =	sst s1  }
0xa: {  	[smem:$0x3FAC] =	sst s2  }
0xb: {  	[smem:$0x3FAD] =	sst s3  }
0xc: {  	[smem:$0x3FAE] =	sst s4  }
0xd: {  	[smem:$0x3FAF] =	sst s5  }
0xe: {  	[smem:$0x3FB0] =	sst s6  }
0xf: {  	[smem:$0x3FB1] =	sst s7  }
0x10: {  	[smem:$0x3FB2] =	sst s8  }
0x11: {  	[smem:$0x3FB3] =	sst s9;
	s0 =	simm.s32 @!p0 $0x0  }
0x12: {  	s1 =	sld [smem:$0x3F99];
	s0 =	simm.s32 @p0 $0x1  }
0x13: {  	[smem:$0x3FB4] =	sst s0;
	s0 =	simm.s32 @!p1 $0x0  }
0x14: {  	s2 =	sld [smem:$0x3F98];
	s0 =	simm.s32 @p1 $0x1  }
0x15: {  	[smem:$0x3FB5] =	sst s0;
	s0 =	simm.s32 @!p2 $0x0  }
0x16: {  	s3 =	sld [smem:$0x3FDB];
	s0 =	simm.s32 @p2 $0x1  }
0x17: {  	s4 =	simm.s32 $0x1BF5;
	[smem:$0x3FB7] =	sst s0  }
0x18: {  	s0 =	sld [smem:$0x3F9A];
	_ =	swait.ge [sflag:s4], $0x0  }
0x19: {  	s7 =	sld [smem:$0x3F9B]  }
0x1a: {  	s8 =	sadd.s32 $0xFFFFE003, lr  }
0x1b: {  	s9 =	sadd.s32 $0xFFFFFEF7, lr;
	s5 =	simm.s32 $0xFFFFFFFF;
	p2 =	slt.u32 s8, $0xFFFFF086  }
0x1c: {  	p1 =	slt.u32 s9, $0xF7A;
	s5 =	simm.s32 @!p2 $0x0  }
0x1d: {  	s5 =	simm.s32 @p1 $0x1;
	p0 =	seq.s32 s7, s2  }
0x1e: {  	s7 =	smul.u32 @!p0 $0xF7A, s2;
	p2 =	seq.s32 @!p0 s5, $0x0  }
0x1f: {  	s9 =	smul.u32 $0xF7A, s1;
	s8 =	simm.s32 @!p0 $0x1BF5;
	p2 =	por !p2, p0  }
0x20: {  	[sflag:s8] =	ssyncset.s32 @!p0 $0xFFFFF086;
	s6 =	sadd.s32 @!p0 s3, s7;
	s7 =	simm.s32 @!p0 $0x108  }
0x21: {  	s3 =	sadd.s32 s3, s9;
	s6 =	sadd.s32 @!p0 $0x88, s6;
	s7 =	simm.s32 @p2 $0x1082  }
0x22: {  	[simem:s7], [sflag:s8] =	dma.local @!p0 [hbm:s6], $0xF7A  }
0x23: {  	s9 =	sor.u32 $0xD0000000, s2;
	s6 =	simm.s32 $0x108;
	_ =	swait.ge @!p0 [sflag:s8], $0x0  }
0x24: {  	s3 =	sadd.s32 $0x88, s3;
	s6 =	simm.s32 @!p1 $0x1082;
	[sflag:s4] =	ssyncset.s32 $0xFFFFF086  }
0x25: {  	[simem:s6], [sflag:s4] =	dma.local [hbm:s3], $0xF7A  }
0x26: {  	[smem:$0x3F9B] =	sst s1;
	(tag) =	ssettag s2;
	_ =	strace s9  }
0x27: {  	s1 =	sld [smem:$0x3FAB]  }
0x28: {  	s2 =	sld [smem:$0x3FAC]  }
0x29: {  	s4 =	sld [smem:$0x3FAE]  }
0x2a: {  	p0 =	seq.s32 s5, $0x0;
	s5 =	sld [smem:$0x3FAF]  }
0x2b: {  	s6 =	sld [smem:$0x3FB0]  }
0x2c: {  	s7 =	sld [smem:$0x3FB1]  }
0x2d: {  	s3 =	simm.s32 $0x108;
	s8 =	sld [smem:$0x3FB2]  }
0x2e: {  	s3 =	simm.s32 @!p0 $0x1082;
	s9 =	sld [smem:$0x3FB3]  }
0x2f: {  	lr =	sadd.s32 s0, s3;
	s0 =	sld [smem:$0x3FAA]  }
0x30: {  	s3 =	sld [smem:$0x3FAD]  }
0x31: {  	[smem:$0x3FB6] =	sst s10  }
0x32: {  	s10 =	sld [smem:$0x3FB4];
	_ =	sdelay $0x3  }
0x33: {  	p0 =	seq.s32 s10, $0x1;
	s10 =	sld [smem:$0x3FB6];
	_ =	sdelay $0x3  }
0x34: {  	[smem:$0x3FB6] =	sst s10  }
0x35: {  	s10 =	sld [smem:$0x3FB5];
	_ =	sdelay $0x3  }
0x36: {  	p1 =	seq.s32 s10, $0x1;
	s10 =	sld [smem:$0x3FB6];
	_ =	sdelay $0x3  }
0x37: {  	[smem:$0x3FB6] =	sst s10  }
0x38: {  	s10 =	sld [smem:$0x3FB7]  }
0x39: {  	_ = 	snop;
	(pc) =	sbr.ind lr, $3  }
0x3a: {  	_ = 	snop  }
0x3b: {  	_ = 	snop  }
0x3c: {  	p2 =	seq.s32 s10, $0x1;
	s10 =	sld [smem:$0x3FB6]  }
0x3d: {  	_ =	shalt  }
0x3e: {  	_ =	shalt  }
0x3f: {  	_ =	shalt  }
0x40: {  	_ =	shalt  }
0x41: {  	_ =	shalt  }
0x42: {  	_ =	shalt  }
0x43: {  	_ =	shalt  }
0x44: {  	_ =	shalt  }
0x45: {  	_ =	shalt  }
0x46: {  	_ =	shalt  }
0x47: {  	_ =	shalt  }
0x48: {  	_ =	shalt  }
0x49: {  	_ =	shalt  }
0x4a: {  	_ =	shalt  }
0x4b: {  	_ =	shalt  }
0x4c: {  	_ =	shalt  }
0x4d: {  	_ =	shalt  }
0x4e: {  	_ =	shalt  }
0x4f: {  	_ =	shalt  }
0x50: {  	_ =	shalt  }
0x51: {  	_ =	shalt  }
0x52: {  	_ =	shalt  }
0x53: {  	_ =	shalt  }
0x54: {  	_ =	shalt  }
0x55: {  	_ =	shalt  }
0x56: {  	_ =	shalt  }
0x57: {  	_ =	shalt  }
0x58: {  	_ =	shalt  }
0x59: {  	_ =	shalt  }
0x5a: {  	_ =	shalt  }
0x5b: {  	_ =	shalt  }
0x5c: {  	_ =	shalt  }
0x5d: {  	_ =	shalt  }
0x5e: {  	_ =	shalt  }
0x5f: {  	_ =	shalt  }
0x60: {  	_ =	shalt  }
0x61: {  	_ =	shalt  }
0x62: {  	_ =	shalt  }
0x63: {  	_ =	shalt  }
0x64: {  	_ =	shalt  }
0x65: {  	_ =	shalt  }
0x66: {  	_ =	shalt  }
0x67: {  	_ =	shalt  }
0x68: {  	_ =	shalt  }
0x69: {  	_ =	shalt  }
0x6a: {  	_ =	shalt  }
0x6b: {  	_ =	shalt  }
0x6c: {  	_ =	shalt  }
0x6d: {  	_ =	shalt  }
0x6e: {  	_ =	shalt  }
0x6f: {  	_ =	shalt  }
0x70: {  	_ =	shalt  }
0x71: {  	_ =	shalt  }
0x72: {  	_ =	shalt  }
0x73: {  	_ =	shalt  }
0x74: {  	_ =	shalt  }
0x75: {  	_ =	shalt  }
0x76: {  	_ =	shalt  }
0x77: {  	_ =	shalt  }
0x78: {  	_ =	shalt  }
0x79: {  	_ =	shalt  }
0x7a: {  	_ =	shalt  }
0x7b: {  	_ =	shalt  }
0x7c: {  	_ =	shalt  }
0x7d: {  	_ =	shalt  }
0x7e: {  	_ =	shalt  }
0x7f: {  	_ =	shalt  }
0x80: {  	_ =	shalt  }
0x81: {  	_ =	shalt  }
0x82: {  	_ =	shalt  }
0x83: {  	_ =	shalt  }
0x84: {  	_ =	shalt  }
0x85: {  	_ =	shalt  }
0x86: {  	_ =	shalt  }
0x87: {  	_ =	shalt  }
.Lfunc_end0:
.L_simem_size_0:
called_computation.1_lowered:
.L_overlay_start_0:
0x88: {  	s2 =	sld [smem:$0x3FD9]  }
0x89: {  	s3 =	sld [smem:$0x3FFE];
	_ =	sdelay $0x1  }
0x8a: {  	s1 =	srdreg.scid  }
0x8b: {  	s0 =	sand.u32 $0x1, s1  }
0x8c: {  	s17 =	sshll.u32 s0, $0xA;
	s2 =	sadd.s32 s3, s2  }
0x8d: {  	s2 =	sadd.s32 s2, s17  }
0x8e: {  	[smem:$0x3FC2] =	sst s2  }
0x8f: {  	_ = 	snop  }
0x90: {  	s2 =	sld [smem:$0x3FC9]  }
0x91: {  	s18 =	sld [smem:$0x3FD0];
	(tm) =	ssettm $0x1  }
0x92: {  	s4 =	sld [smem:$0x3FFB];
	_ =	sdelay $0x3  }
0x93: {  	_ =	strace s4  }
0x94: {  	s4 =	sld [smem:$0x3FFC];
	_ =	sdelay $0x3  }
0x95: {  	_ =	strace s4  }
0x96: {  	s4 =	sld [smem:$0x3FFD];
	_ =	sdelay $0x3  }
0x97: {  	_ =	strace s4  }
0x98: {  	_ =	strace $0x8FFFFFFF  }
0x99: {  	s19 =	sld [smem:$0x3FDB];
	_ =	sdelay $0x1  }
0x9a: {  	s5 =	simm.s32 $_scs_section_size  }
0x9b: {  	s6 =	simm.s32 $_size__tile_overlayer_lowered;
	s7 =	simm.s32 $_tile_overlayer_lowered  }
0x9c: {  	s22 =	simm.s32 $0x1BFF;
	s21 =	sshll.u32 s7, $0x1;
	s4 =	sadd.s32 s5, s19  }
0x9d: {  	s8 =	simm.s32 $0x0;
	s20 =	sshll.u32 s6, $0x1;
	s6 =	sadd.s32 s21, s4  }
0x9e: {  	[timem:s8], [sflag:s22] =	dma.local [hbm:s6], s20  }
0x9f: {  	_ =	swait.ge [sflag:s22], s20  }
0xa0: {  	s5 =	ssub.s32 $0x0, s20;
	[sflag:s22] =	ssyncset.done $0x0  }
0xa1: {  	[sflag:s22] =	ssyncadd.s32 s5;
	_ =	sdelay $0x1  }
0xa2: {  	s23 =	simm.s32 $0x1B8B  }
0xa3: {  	_ =	swait.ge [sflag:s23], $0x1  }
0xa4: {  	[sflag:s23] =	ssyncset.done $0x0  }
0xa5: {  	s25 =	simm.s32 $0x1B8E;
	s24 =	sld [smem:$0x3FFE];
	[sflag:s23] =	ssyncadd.s32 $0xFFFFFFFF  }
0xa6: {  	s26 =	simm.s32 $execute0_lowered;
	[smem:$0x3FD2] =	sst s25  }
0xa7: {  	s6 =	sshll.u32 s26, $0x1;
	_ =	strace $0x80000049;
	[dreg:$0x1] =	wrdreg $0xFFFFFFFF  }
0xa8: {  	s28 =	simm.s32 $_size_execute0_lowered;
	s4 =	sadd.s32 s4, s6;
	[dreg:$0x0] =	wrdreg $0x0  }
0xa9: {  	s6 =	sshll.u32 s28, $0x1;
	[dreg:$0x2] =	wrdreg s4  }
0xaa: {  	[dreg:$0x3] =	wrdreg s6  }
0xab: {  	[dreg:$0x4] =	wrdreg $0xC0  }
0xac: {  	_ =	task [dreg:s8], $0x5FFFF  }
0xad: {  	[dreg:$0x1] =	wrdreg $0xFFFFFFFF  }
0xae: {  	[dreg:$0x0] =	wrdreg $0x60  }
0xaf: {  	[dreg:$0x2] =	wrdreg s2  }
0xb0: {  	[dreg:$0x3] =	wrdreg s24  }
0xb1: {  	[dreg:$0x4] =	wrdreg s18  }
0xb2: {  	[dreg:$0x5] =	wrdreg $0x9  }
0xb3: {  	_ =	task.clear_ibuf [dreg:s8], $0x6FFFF;
	_ =	strace $0x90000049  }
0xb4: {  	s29 =	simm.s32 $0x9;
	_ =	strace $0x8000004B  }
0xb5: {  	_ =	swait.ge [sflag:s29], $0x1  }
0xb6: {  	[sflag:s29] =	ssyncadd.s32 $0xFFFFFFFF  }
0xb7: {  	_ =	strace $0x9000004B  }
0xb8: {  	_ =	sfence  }
0xb9: {  	s30 =	sld [smem:$0x0];
	_ =	sdelay $0x2  }
0xba: {  	s31 =	sshll.u32 s1, $0xD;
	s1 =	sshrl.u32 s1, $0x2  }
0xbb: {  	s3 =	sand.u32 $0x4000, s31;
	s1 =	sadd.s32 s1, s30  }
0xbc: {  	s0 =	sor.u32 s3, s0;
	s1 =	sshll.u32 s1, $0x11  }
0xbd: {  	s0 =	sor.u32 s1, s0  }
0xbe: {  	s0 =	sadd.s32 $0x8F2B, s0  }
0xbf: {  	[sflag:s0] =	ssyncadd.remote.s32 $0x1  }
0xc0: {  	_ =	sfence.sel $0xFFFF  }
0xc1: {  	[dreg:$0x0] =	wrdreg $0xFFFFFFFF;
	(pc) =	sbr.abs _section_cstart, $3  }
0xc2: {  	[dreg:$0x1] =	wrdreg $0xFFFFFFFF  }
0xc3: {  	_ =	task.clear_ibuf [dreg:s8], $0x2FFFF;
	_ =	strace $0x9FFFFFFF  }
0xc4: {  	(tm) =	ssettm $0x7FFFFFFF  }
0xc5: {  	_ =	shalt  }
tec
execute0_lowered:
.L_overlay_start_1:
0x0: {  	(tag) =	ssettag $0x1  }
0x1: {  	s4 =	rddreg [dreg:$0x0]  }
0x2: {  	s5 =	rddreg [dreg:$0x1]  }
0x3: {  	s6 =	rddreg [dreg:$0x2]  }
0x4: {  	s0 =	rddreg [dreg:$0x3]  }
0x5: {  	s2 =	simm.s32 $0x0;
	s3 =	srdreg.scid;
	s1 =	stileid.u32  }
0x6: {  	s10 =	simm.s32 $0x40;
	s11 =	simm.s32 $0x200;
	s12 =	simm.s32 $0x240  }
0x7: {  	s13 =	simm.s32 $0x80;
	s14 =	simm.s32 $0x280;
	s15 =	simm.s32 $0xC0  }
0x8: {  	s16 =	simm.s32 $0x2C0;
	s17 =	simm.s32 $0x100;
	s18 =	simm.s32 $0x300  }
0x9: {  	s19 =	simm.s32 $0x140;
	s20 =	simm.s32 $0x340;
	s21 =	simm.s32 $0x180  }
0xa: {  	s22 =	simm.s32 $0x380;
	s23 =	simm.s32 $0x1C0;
	s24 =	simm.s32 $0x3C0  }
0xb: {  	s25 =	simm.s32 $0x2;
	s26 =	simm.s32 $0x3;
	s28 =	simm.s32 $0x600  }
0xc: {  	s29 =	simm.s32 $0x4;
	[smem:$0x7FF] =	sst s2;
	s3 =	sand.u32 $0x1, s3  }
0xd: {  	s7 =	sshll.u32 s1, $0x7;
	s8 =	sshll.u32 s3, $0x6;
	s9 =	ssub.s32 $0x2, s3  }
0xe: {  	_ =	strace $0x8000004A;
	s7 =	sor.u32 s8, s7;
	s31 =	sshrl.u32 s9, $0x1  }
0xf: {  	s3 =	sadd.s32 $0x4C00, s5;
	s5 =	sadd.s32 s7, s5;
	s8 =	ssub.s32 s9, s31  }
0x10: {  	s4 =	sadd.s32 s4, s7;
	s6 =	sadd.s32 s6, s7;
	s9 =	simm.s32 $0x1  }
0x11: {  	s5 =	sadd.s32 $0x4400, s5;
	s7 =	smax.u32 s8, $0x1;
	s8 =	simm.s32 $0x400  }
.LBB2_1:
0x12: {  	[tilespmem:s2], [sflag:$0x1] =	stream.linear.gather [hbm4b:s4+s2], $0x200, $0x38;
	[tilespmem:$0x800] =	vst v63  }
0x13: {  	_ = 	snop  }
0x14: {  	[tilespmem:s8], [sflag:$0x2] =	stream.linear.gather [hbm4b:s5+s2], $0x200, $0x38;
	[tilespmem:$0x800] =	vst v63  }
0x15: {  	_ =	swait.ge [sflag:s9], $0x200  }
0x16: {  	[sflag:s9] =	ssyncset.done $0x0  }
0x17: {  	[sflag:s9] =	ssyncadd.s32 $0xFFFFFE00  }
0x18: {  	[tilespmem:s11], [sflag:$0x3] =	stream.indirect.gather [hbm4b:s3+s10], $0x1, s2, s10, $0xb8;
	[tilespmem:$0x800] =	vst v63  }
0x19: {  	_ = 	snop  }
0x1a: {  	[tilespmem:s12], [sflag:$0x3] =	stream.indirect.gather [hbm4b:s3+s10], $0x1, s10, s10, $0xb8;
	[tilespmem:$0x800] =	vst v63  }
0x1b: {  	_ = 	snop  }
0x1c: {  	[tilespmem:s14], [sflag:$0x3] =	stream.indirect.gather [hbm4b:s3+s10], $0x1, s13, s10, $0xb8;
	[tilespmem:$0x800] =	vst v63  }
0x1d: {  	_ = 	snop  }
0x1e: {  	[tilespmem:s16], [sflag:$0x3] =	stream.indirect.gather [hbm4b:s3+s10], $0x1, s15, s10, $0xb8;
	[tilespmem:$0x800] =	vst v63  }
0x1f: {  	_ = 	snop  }
0x20: {  	[tilespmem:s18], [sflag:$0x3] =	stream.indirect.gather [hbm4b:s3+s10], $0x1, s17, s10, $0xb8;
	[tilespmem:$0x800] =	vst v63  }
0x21: {  	_ = 	snop  }
0x22: {  	[tilespmem:s20], [sflag:$0x3] =	stream.indirect.gather [hbm4b:s3+s10], $0x1, s19, s10, $0xb8;
	[tilespmem:$0x800] =	vst v63  }
0x23: {  	_ = 	snop  }
0x24: {  	[tilespmem:s22], [sflag:$0x3] =	stream.indirect.gather [hbm4b:s3+s10], $0x1, s21, s10, $0xb8;
	[tilespmem:$0x800] =	vst v63  }
0x25: {  	_ = 	snop  }
0x26: {  	[tilespmem:s24], [sflag:$0x3] =	stream.indirect.gather [hbm4b:s3+s10], $0x1, s23, s10, $0xb8;
	[tilespmem:$0x800] =	vst v63  }
0x27: {  	_ =	swait.ge [sflag:s25], $0x200  }
0x28: {  	[sflag:s25] =	ssyncset.done $0x0  }
0x29: {  	[sflag:s25] =	ssyncadd.s32 $0xFFFFFE00  }
0x2a: {  	_ =	swait.ge [sflag:s26], $0x40  }
0x2b: {  	[sflag:s26] =	ssyncset.done $0x0  }
0x2c: {  	[sflag:s26] =	ssyncadd.s32 $0xFFFFFFC0  }
0x2d: {  	_ =	swait.ge [sflag:s26], $0x40  }
0x2e: {  	[sflag:s26] =	ssyncset.done $0x0  }
0x2f: {  	[sflag:s26] =	ssyncadd.s32 $0xFFFFFFC0  }
0x30: {  	_ =	swait.ge [sflag:s26], $0x40  }
0x31: {  	[sflag:s26] =	ssyncset.done $0x0  }
0x32: {  	[sflag:s26] =	ssyncadd.s32 $0xFFFFFFC0  }
0x33: {  	_ =	swait.ge [sflag:s26], $0x40  }
0x34: {  	[sflag:s26] =	ssyncset.done $0x0  }
0x35: {  	[sflag:s26] =	ssyncadd.s32 $0xFFFFFFC0  }
0x36: {  	_ =	swait.ge [sflag:s26], $0x40  }
0x37: {  	[sflag:s26] =	ssyncset.done $0x0  }
0x38: {  	[sflag:s26] =	ssyncadd.s32 $0xFFFFFFC0  }
0x39: {  	_ =	swait.ge [sflag:s26], $0x40  }
0x3a: {  	[sflag:s26] =	ssyncset.done $0x0  }
0x3b: {  	[sflag:s26] =	ssyncadd.s32 $0xFFFFFFC0  }
0x3c: {  	_ =	swait.ge [sflag:s26], $0x40  }
0x3d: {  	[sflag:s26] =	ssyncset.done $0x0  }
0x3e: {  	[sflag:s26] =	ssyncadd.s32 $0xFFFFFFC0  }
0x3f: {  	_ =	swait.ge [sflag:s26], $0x40  }
0x40: {  	[sflag:s26] =	ssyncset.done $0x0  }
0x41: {  	[sflag:s26] =	ssyncadd.s32 $0xFFFFFFC0  }
0x42: {  	v0 =	vld [tilespmem:$0x400]  }
0x43: {  	v1 =	vld [tilespmem:$0x200]  }
0x44: {  	v2 =	vld [tilespmem:$0x410]  }
0x45: {  	v3 =	vld [tilespmem:$0x210]  }
0x46: {  	v4 =	vld [tilespmem:$0x420]  }
0x47: {  	v5 =	vld [tilespmem:$0x220]  }
0x48: {  	v6 =	vld [tilespmem:$0x430]  }
0x49: {  	v7 =	vld [tilespmem:$0x230]  }
0x4a: {  	v8 =	vld [tilespmem:$0x440]  }
0x4b: {  	v9 =	vld [tilespmem:$0x240]  }
0x4c: {  	v10 =	vld [tilespmem:$0x450]  }
0x4d: {  	v11 =	vld [tilespmem:$0x250]  }
0x4e: {  	v12 =	vld [tilespmem:$0x460]  }
0x4f: {  	v13 =	vld [tilespmem:$0x260]  }
0x50: {  	v14 =	vld [tilespmem:$0x470]  }
0x51: {  	v15 =	vld [tilespmem:$0x270]  }
0x52: {  	v16 =	vld [tilespmem:$0x480]  }
0x53: {  	v17 =	vld [tilespmem:$0x280]  }
0x54: {  	v18 =	vld [tilespmem:$0x490]  }
0x55: {  	v19 =	vld [tilespmem:$0x290]  }
0x56: {  	v20 =	vld [tilespmem:$0x4A0]  }
0x57: {  	v21 =	vld [tilespmem:$0x2A0]  }
0x58: {  	v22 =	vld [tilespmem:$0x4B0]  }
0x59: {  	v23 =	vld [tilespmem:$0x2B0]  }
0x5a: {  	v24 =	vld [tilespmem:$0x4C0]  }
0x5b: {  	v25 =	vld [tilespmem:$0x2C0]  }
0x5c: {  	v26 =	vld [tilespmem:$0x4D0]  }
0x5d: {  	v27 =	vld [tilespmem:$0x2D0]  }
0x5e: {  	v28 =	vld [tilespmem:$0x4E0]  }
0x5f: {  	v29 =	vld [tilespmem:$0x2E0]  }
0x60: {  	v30 =	vld [tilespmem:$0x4F0]  }
0x61: {  	v31 =	vld [tilespmem:$0x2F0]  }
0x62: {  	v32 =	vld [tilespmem:$0x500]  }
0x63: {  	v33 =	vld [tilespmem:$0x300]  }
0x64: {  	v34 =	vld [tilespmem:$0x510]  }
0x65: {  	v35 =	vld [tilespmem:$0x310]  }
0x66: {  	v36 =	vld [tilespmem:$0x520]  }
0x67: {  	v46 =	vld [tilespmem:$0x320];
	v0 =	vadd.f32 v1, v0  }
0x68: {  	v47 =	vld [tilespmem:$0x530];
	v2 =	vadd.f32 v3, v2  }
0x69: {  	v49 =	vld [tilespmem:$0x330];
	v48 =	vadd.f32 v5, v4;
	[tilespmem:$0x600] =	vst v0  }
0x6a: {  	v51 =	vld [tilespmem:$0x540];
	v50 =	vadd.f32 v7, v6;
	[tilespmem:$0x610] =	vst v2  }
0x6b: {  	v53 =	vld [tilespmem:$0x340];
	v52 =	vadd.f32 v9, v8;
	[tilespmem:$0x620] =	vst v48  }
0x6c: {  	v55 =	vld [tilespmem:$0x550];
	v54 =	vadd.f32 v11, v10;
	[tilespmem:$0x630] =	vst v50  }
0x6d: {  	v57 =	vld [tilespmem:$0x350];
	v56 =	vadd.f32 v13, v12;
	[tilespmem:$0x640] =	vst v52  }
0x6e: {  	v59 =	vld [tilespmem:$0x560];
	v58 =	vadd.f32 v15, v14;
	[tilespmem:$0x650] =	vst v54  }
0x6f: {  	v61 =	vld [tilespmem:$0x360];
	v60 =	vadd.f32 v17, v16;
	[tilespmem:$0x660] =	vst v56  }
0x70: {  	v63 =	vld [tilespmem:$0x570];
	v62 =	vadd.f32 v19, v18;
	[tilespmem:$0x670] =	vst v58  }
0x71: {  	v37 =	vld [tilespmem:$0x5A0];
	v20 =	vadd.f32 v21, v20;
	[tilespmem:$0x680] =	vst v60  }
0x72: {  	v39 =	vld [tilespmem:$0x3A0];
	v22 =	vadd.f32 v23, v22;
	[tilespmem:$0x690] =	vst v62  }
0x73: {  	v41 =	vld [tilespmem:$0x5B0];
	v24 =	vadd.f32 v25, v24;
	[tilespmem:$0x6A0] =	vst v20  }
0x74: {  	v43 =	vld [tilespmem:$0x3B0];
	v26 =	vadd.f32 v27, v26;
	[tilespmem:$0x6B0] =	vst v22  }
0x75: {  	v45 =	vld [tilespmem:$0x5C0];
	v28 =	vadd.f32 v29, v28;
	[tilespmem:$0x6C0] =	vst v24  }
0x76: {  	v21 =	vld [tilespmem:$0x370];
	v31 =	vadd.f32 v31, v30;
	[tilespmem:$0x6D0] =	vst v26  }
0x77: {  	v23 =	vld [tilespmem:$0x580];
	v38 =	vadd.f32 v33, v32;
	[tilespmem:$0x6E0] =	vst v28  }
0x78: {  	v25 =	vld [tilespmem:$0x380];
	v40 =	vadd.f32 v35, v34;
	[tilespmem:$0x6F0] =	vst v31  }
0x79: {  	v27 =	vld [tilespmem:$0x590];
	v42 =	vadd.f32 v46, v36;
	[tilespmem:$0x700] =	vst v38  }
0x7a: {  	v29 =	vld [tilespmem:$0x390];
	v44 =	vadd.f32 v49, v47;
	[tilespmem:$0x710] =	vst v40  }
0x7b: {  	v46 =	vadd.f32 v53, v51;
	v47 =	vld [tilespmem:$0x3C0];
	[tilespmem:$0x720] =	vst v42  }
0x7c: {  	v49 =	vld [tilespmem:$0x5D0];
	v1 =	vadd.f32 v43, v41;
	[tilespmem:$0x730] =	vst v44  }
0x7d: {  	v51 =	vld [tilespmem:$0x3D0];
	v48 =	vadd.f32 v57, v55;
	[tilespmem:$0x740] =	vst v46  }
0x7e: {  	v53 =	vld [tilespmem:$0x5E0];
	v50 =	vadd.f32 v61, v59;
	[tilespmem:$0x7B0] =	vst v1  }
0x7f: {  	v55 =	vld [tilespmem:$0x3E0];
	v58 =	vadd.f32 v39, v37;
	[tilespmem:$0x750] =	vst v48  }
0x80: {  	v57 =	vld [tilespmem:$0x5F0];
	[tilespmem:$0x760] =	vst v50;
	v52 =	vadd.f32 v21, v63  }
0x81: {  	v59 =	vld [tilespmem:$0x3F0];
	[tilespmem:$0x7A0] =	vst v58;
	v54 =	vadd.f32 v25, v23  }
0x82: {  	v56 =	vadd.f32 v29, v27;
	[tilespmem:$0x770] =	vst v52  }
0x83: {  	v60 =	vadd.f32 v47, v45;
	[tilespmem:$0x780] =	vst v54  }
0x84: {  	v61 =	vadd.f32 v51, v49;
	[tilespmem:$0x790] =	vst v56  }
0x85: {  	[tilespmem:$0x7C0] =	vst v60;
	v62 =	vadd.f32 v55, v53  }
0x86: {  	[tilespmem:$0x7D0] =	vst v61;
	v63 =	vadd.f32 v59, v57  }
0x87: {  	p0 =	sne.s32 s7, $0x1;
	[tilespmem:$0x7E0] =	vst v62  }
.Ltmp0:
0x88: {  	[tilespmem:$0x7F0] =	vst v63;
	(pc) =	sbr.rel @p0 .LBB2_1-.Ltmp0, $4  }
0x89: {  	[hbm4b:s6+s2] =	stream.linear.scatter [tilespmem:s28], [sflag:$0x4], $0x200, $0x38;
	[tilespmem:$0x800] =	vst v63  }
0x8a: {  	_ =	swait.ge [sflag:s29], $0x200  }
0x8b: {  	[sflag:s29] =	ssyncset.done $0x0  }
0x8c: {  	s7 =	sadd.s32 $0xFFFFFFFF, s7;
	[sflag:s29] =	ssyncadd.s32 $0xFFFFFE00  }
0x8d: {  	_ =	sfence.sel $0x180000  }
0x8e: {  	[bflag:$0x0] =	sbarrier.arrive $0xFFFF  }
0x8f: {  	p0 =	sne.s32 s1, $0x0;
	_ =	strace $0x9000004A  }
0x90: {  	s0 =	sadd.s32 @!p0 $0x100000, s0;
	[bflag:$0x2] =	sbarrier.arrive $0xFFFF  }
0x91: {  	[sflag:s0] =	ssyncadd.tile.s32 @!p0 $0x1;
	_ =	shalt  }
.Lfunc_end2:
_tile_overlayer_lowered:
.L_overlay_start_2:
0x92: {  	(tag) =	ssettag $0x2  }
0x93: {  	s0 =	rddreg [dreg:$0x0];
	s2 =	stileid.u32  }
0x94: {  	s1 =	rddreg [dreg:$0x1];
	p0 =	sne.s32 s2, $0x0  }
0x95: {  	s3 =	rddreg [dreg:$0x2];
	[bflag:$0x3] =	sbarrier.arrive $0xFFFF;
	s2 =	simm.s32 @!p0 $0x1C04  }
0x96: {  	[timem:s3], [sflag:s2] =	dma.local @!p0 [hbm:s0], s1  }
0x97: {  	s0 =	simm.s32 @!p0 $0x4  }
0x98: {  	_ =	swait.ge @!p0 [sflag:s0], s1  }
0x99: {  	s1 =	ssub.s32 @!p0 $0x0, s1;
	[sflag:s0] =	ssyncset.done @!p0 $0x0  }
0x9a: {  	[sflag:s0] =	ssyncadd.s32 @!p0 s1  }
0x9b: {  	[bflag:$0x3] =	sbarrier.arrive $0xFFFF  }
0x9c: {  	_ =	shalt  }

</sc_bundles>
